<compile_context>
chip_gen: v7x
topology: tpu7x:2x2x1
jax: 0.10.2.dev20260603
libtpu: 0.0.44.dev20260713+nightly
codegen_flags: <defaults>
</compile_context>

<pallas_src>
import functools

import jax
import jax.numpy as jnp
from jax import lax
from jax.experimental import pallas as pl
from jax.experimental.pallas import tpu as pltpu
from jax.experimental.pallas import tpu_sc as plsc

_PERCENTILE = 0.9999

_NC = 2
_NS = 16
_NW = _NC * _NS
_L = 16

_BINS = 32768
_CROWS = 8
_CH = _CROWS * 2048
_NBUF = 4


def _sc_histogram(x2):
    nrows, ncols = x2.shape
    assert ncols == 2048
    rpw = nrows // _NW
    nch = rpw // _CROWS
    assert rpw % _CROWS == 0 and nch % _NBUF == 0

    mesh = plsc.VectorSubcoreMesh(
        core_axis_name="c", subcore_axis_name="s",
        num_cores=_NC, num_subcores=_NS,
    )

    @functools.partial(
        pl.kernel,
        out_type=jax.ShapeDtypeStruct((_NW * _BINS,), jnp.int32),
        mesh=mesh,
        compiler_params=pltpu.CompilerParams(needs_layout_passes=False,
                                             use_tc_tiling_on_sc=True),
        scratch_types=[
            pltpu.VMEM((_BINS,), jnp.int32),
            pltpu.VMEM((_NBUF, _CROWS, 2048), jnp.float32),
            pltpu.SemaphoreType.DMA,
            pltpu.SemaphoreType.DMA,
            pltpu.SemaphoreType.DMA,
            pltpu.SemaphoreType.DMA,
        ],
    )
    def hist_kernel(x_hbm, hist_hbm, hist_v, buf_v, *sems):
        wid = lax.axis_index("c") * _NS + lax.axis_index("s")
        base = wid * rpw
        ones = jnp.ones((_L,), jnp.int32)

        def zero_body(i, carry):
            for j in range(8):
                hist_v[pl.ds((i * 8 + j) * _L, _L)] = jnp.zeros((_L,),
                                                                jnp.int32)
            return carry

        lax.fori_loop(0, _BINS // (8 * _L), zero_body, 0)

        def start_copy(c, b):
            return pltpu.async_copy(
                x_hbm.at[pl.ds(base + c * _CROWS, _CROWS)],
                buf_v.at[b],
                sems[b],
            )

        def wait_copy(c, b):
            pltpu.make_async_copy(
                x_hbm.at[pl.ds(base + c * _CROWS, _CROWS)],
                buf_v.at[b],
                sems[b],
            ).wait()

        for b0 in range(_NBUF):
            start_copy(b0, b0)

        def chunk_hist(b):
            @plsc.parallel_loop(0, 2048 // _L)
            def _(i):
                for r in range(_CROWS):
                    v = buf_v[b, r, pl.ds(i * _L, _L)]
                    u = plsc.bitcast(v, jnp.uint32)
                    idx = plsc.bitcast(
                        lax.shift_right_logical(
                            lax.shift_left(u, jnp.uint32(1)), jnp.uint32(17)),
                        jnp.int32,
                    )
                    plsc.addupdate_scatter(hist_v, [idx], ones)

        def ring_body(p, carry):
            for b in range(_NBUF):
                c = _NBUF * p + b
                wait_copy(c, b)
                chunk_hist(b)

                @pl.when(c + _NBUF < nch)
                def _():
                    start_copy(c + _NBUF, b)
            return carry

        lax.fori_loop(0, nch // _NBUF, ring_body, 0)
        pltpu.sync_copy(hist_v, hist_hbm.at[pl.ds(wid * _BINS, _BINS)])

    return hist_kernel(x2)


def _tc_min(x2):
    nrows = x2.shape[0]
    blk = 512
    grid = nrows // blk

    def body(x_ref, o_ref):
        bm = jnp.full((8, 128), jnp.min(x_ref[...]), jnp.float32)
        o_ref[...] = jnp.where(pl.program_id(0) == 0, bm,
                               jnp.minimum(o_ref[...], bm))

    return pl.pallas_call(
        body,
        grid=(grid,),
        in_specs=[pl.BlockSpec((blk, 2048), lambda i: (i, 0))],
        out_specs=pl.BlockSpec((8, 128), lambda i: (0, 0)),
        out_shape=jax.ShapeDtypeStruct((8, 128), jnp.float32),
    )(x2)


def _tc_select(hists, minarr, m):
    rows, cols = _BINS // 128, 128

    def body(h_ref, mn_ref, o_ref):
        h = jnp.sum(h_ref[...].astype(jnp.float32), axis=0)
        h2 = h.reshape(rows, cols)
        ic = lax.broadcasted_iota(jnp.int32, (cols, cols), 0)
        jc = lax.broadcasted_iota(jnp.int32, (cols, cols), 1)
        upper = (ic >= jc).astype(jnp.float32)
        rowsuf = jnp.dot(h2, upper, precision=lax.Precision.HIGHEST,
                         preferred_element_type=jnp.float32)
        ir = lax.broadcasted_iota(jnp.int32, (rows, rows), 0)
        jr = lax.broadcasted_iota(jnp.int32, (rows, rows), 1)
        after = (jr > ir).astype(jnp.float32)
        tot = jnp.sum(h2, axis=1, keepdims=True)
        sr = jnp.dot(after, tot, precision=lax.Precision.HIGHEST,
                     preferred_element_type=jnp.float32)
        si = rowsuf + sr
        flat_idx = (lax.broadcasted_iota(jnp.int32, (rows, cols), 0) * cols
                    + lax.broadcasted_iota(jnp.int32, (rows, cols), 1))
        b = jnp.max(jnp.where(si >= jnp.float32(m), flat_idx, -1))
        bits = lax.shift_left(b, 16) | jnp.int32(0x8000)
        maxv = lax.bitcast_convert_type(bits, jnp.float32)
        minv = jnp.min(mn_ref[...])
        r8 = lax.broadcasted_iota(jnp.int32, (8, 128), 0)
        l8 = lax.broadcasted_iota(jnp.int32, (8, 128), 1)
        o_ref[...] = jnp.where(
            (r8 == 0) & (l8 == 0), maxv,
            jnp.where((r8 == 0) & (l8 == 1), minv, jnp.float32(0.0)))

    return pl.pallas_call(
        body,
        out_shape=jax.ShapeDtypeStruct((8, 128), jnp.float32),
    )(hists, minarr)


def kernel(input):
    n = input.size
    k = int(_PERCENTILE * n)
    m = n - k + 1
    x2 = input.reshape(-1, input.shape[-1])
    hists = _sc_histogram(x2)
    minarr = _tc_min(x2)
    out = _tc_select(hists.reshape(_NW, _BINS), minarr, m)
    return out[0, :2]

# --- scband reference (transcript-rebuilt; emitter-appended) ---
"""Pipeline reference for scband-histogram-observer-29308856828601 (READ-ONLY COPY).

The authoritative reference and input builder live on the scoring server;
editing this copy changes nothing except your own understanding.
"""

import jax, jax.numpy as jnp
import numpy as np

MOMENTUM = 0.1
PERCENTILE = 0.9999


def setup_inputs(seed: int = 0) -> dict:
    key = jax.random.key(seed)
    x = jax.random.normal(key, (2, 4096, 2048), dtype=jnp.float32)
    return {"input": x}


def reference(input) -> jnp.ndarray:
    # Faithful translation of HistogramObserver.forward on the first call
    # (num_flag == 0 path): observer stats are the current batch stats.
    flat = jnp.abs(input).reshape(-1)
    n = flat.shape[0]
    k = int(PERCENTILE * n)  # torch.kthvalue is 1-indexed: kth smallest
    sorted_abs = jnp.sort(flat)
    max_val_cur = sorted_abs[k - 1]
    min_val_cur = jnp.min(input)
    # first forward call: num_flag == 0 -> buffers set directly to current stats
    max_val = max_val_cur
    min_val = min_val_cur
    return jnp.stack([max_val, min_val])

if __name__ == "__main__":
    import jax
    _d = setup_inputs()
    print(jax.jit(kernel)(*tuple(_d.values())))

</pallas_src>

<mosaic_0001>
#map = affine_map<(d0, d1) -> (0, 0)>
#map1 = affine_map<(d0, d1) -> (0)>
module attributes {stable_mosaic.version = 14 : i64} {
  func.func @hist_kernel(%arg0: i32, %arg1: i32, %arg2: memref<8192x2048xf32, #tpu.memory_space<hbm>>, %arg3: memref<1048576xi32, #tpu.memory_space<hbm>>, %arg4: memref<32768xi32, #tpu.memory_space<vmem>>, %arg5: memref<4x8x2048xf32, #tpu.memory_space<vmem>>, %arg6: memref<!tpu.dma_semaphore, #tpu.memory_space<semaphore_mem>>, %arg7: memref<!tpu.dma_semaphore, #tpu.memory_space<semaphore_mem>>, %arg8: memref<!tpu.dma_semaphore, #tpu.memory_space<semaphore_mem>>, %arg9: memref<!tpu.dma_semaphore, #tpu.memory_space<semaphore_mem>>) attributes {dimension_semantics = [#tpu.dimension_semantics<core_parallel>, #tpu.dimension_semantics<subcore_parallel>], iteration_bounds = array<i64: 2, 16>, scalar_prefetch = 0 : i64, scratch_operands = 6 : i64, tpu.core_type = #tpu.core_type<sc_vector_subcore>, window_params = [{transform_indices = #map}, {transform_indices = #map1}]} {
    %mul3A = arith.constant 16 : i32
    %mul3A_0 = arith.muli %arg0, %mul3A : i32
    %add3A = arith.addi %mul3A_0, %arg1 : i32
    %mul3A_1 = arith.constant 256 : i32
    %mul3A_2 = arith.muli %add3A, %mul3A_1 : i32
    %broadcast_in_dim3A = arith.constant 1 : i32
    %broadcast_in_dim3A_3 = vector.broadcast %broadcast_in_dim3A : i32 to vector<16xi32>
    %scan3A = arith.constant 0 : i32
    %scan3A_4 = arith.constant 0 : i32
    %scan3A_5 = arith.constant 256 : i32
    %scan3A_6 = arith.addi %scan3A_4, %scan3A_5 : i32
    %scan3A_7 = arith.constant 1 : i32
    scf.for %scan3A_76 = %scan3A_4 to %scan3A_6 step %scan3A_7  : i32 {
      %broadcast_in_dim3A_77 = arith.constant 0 : i32
      %broadcast_in_dim3A_78 = vector.broadcast %broadcast_in_dim3A_77 : i32 to vector<16xi32>
      %mul3A_79 = arith.constant 8 : i32
      %mul3A_80 = arith.muli %scan3A_76, %mul3A_79 : i32
      %add3A_81 = arith.constant 0 : i32
      %add3A_82 = arith.addi %mul3A_80, %add3A_81 : i32
      %mul3A_83 = arith.constant 16 : i32
      %mul3A_84 = arith.muli %add3A_82, %mul3A_83 : i32
      %swap3A = arith.index_cast %mul3A_84 : i32 to index
      %swap3A_85 = tpu.vector_load %arg4[%swap3A] {strides = array<i32>} : memref<32768xi32, #tpu.memory_space<vmem>>, vector<16xi32>,
      tpu.vector_store %arg4[%swap3A], %broadcast_in_dim3A_78 {strides = array<i32>} : memref<32768xi32, #tpu.memory_space<vmem>>, vector<16xi32>,
      %broadcast_in_dim3A_86 = arith.constant 0 : i32
      %broadcast_in_dim3A_87 = vector.broadcast %broadcast_in_dim3A_86 : i32 to vector<16xi32>
      %mul3A_88 = arith.constant 8 : i32
      %mul3A_89 = arith.muli %scan3A_76, %mul3A_88 : i32
      %add3A_90 = arith.constant 1 : i32
      %add3A_91 = arith.addi %mul3A_89, %add3A_90 : i32
      %mul3A_92 = arith.constant 16 : i32
      %mul3A_93 = arith.muli %add3A_91, %mul3A_92 : i32
      %swap3A_94 = arith.index_cast %mul3A_93 : i32 to index
      %swap3A_95 = tpu.vector_load %arg4[%swap3A_94] {strides = array<i32>} : memref<32768xi32, #tpu.memory_space<vmem>>, vector<16xi32>,
      tpu.vector_store %arg4[%swap3A_94], %broadcast_in_dim3A_87 {strides = array<i32>} : memref<32768xi32, #tpu.memory_space<vmem>>, vector<16xi32>,
      %broadcast_in_dim3A_96 = arith.constant 0 : i32
      %broadcast_in_dim3A_97 = vector.broadcast %broadcast_in_dim3A_96 : i32 to vector<16xi32>
      %mul3A_98 = arith.constant 8 : i32
      %mul3A_99 = arith.muli %scan3A_76, %mul3A_98 : i32
      %add3A_100 = arith.constant 2 : i32
      %add3A_101 = arith.addi %mul3A_99, %add3A_100 : i32
      %mul3A_102 = arith.constant 16 : i32
      %mul3A_103 = arith.muli %add3A_101, %mul3A_102 : i32
      %swap3A_104 = arith.index_cast %mul3A_103 : i32 to index
      %swap3A_105 = tpu.vector_load %arg4[%swap3A_104] {strides = array<i32>} : memref<32768xi32, #tpu.memory_space<vmem>>, vector<16xi32>,
      tpu.vector_store %arg4[%swap3A_104], %broadcast_in_dim3A_97 {strides = array<i32>} : memref<32768xi32, #tpu.memory_space<vmem>>, vector<16xi32>,
      %broadcast_in_dim3A_106 = arith.constant 0 : i32
      %broadcast_in_dim3A_107 = vector.broadcast %broadcast_in_dim3A_106 : i32 to vector<16xi32>
      %mul3A_108 = arith.constant 8 : i32
      %mul3A_109 = arith.muli %scan3A_76, %mul3A_108 : i32
      %add3A_110 = arith.constant 3 : i32
      %add3A_111 = arith.addi %mul3A_109, %add3A_110 : i32
      %mul3A_112 = arith.constant 16 : i32
      %mul3A_113 = arith.muli %add3A_111, %mul3A_112 : i32
      %swap3A_114 = arith.index_cast %mul3A_113 : i32 to index
      %swap3A_115 = tpu.vector_load %arg4[%swap3A_114] {strides = array<i32>} : memref<32768xi32, #tpu.memory_space<vmem>>, vector<16xi32>,
      tpu.vector_store %arg4[%swap3A_114], %broadcast_in_dim3A_107 {strides = array<i32>} : memref<32768xi32, #tpu.memory_space<vmem>>, vector<16xi32>,
      %broadcast_in_dim3A_116 = arith.constant 0 : i32
      %broadcast_in_dim3A_117 = vector.broadcast %broadcast_in_dim3A_116 : i32 to vector<16xi32>
      %mul3A_118 = arith.constant 8 : i32
      %mul3A_119 = arith.muli %scan3A_76, %mul3A_118 : i32
      %add3A_120 = arith.constant 4 : i32
      %add3A_121 = arith.addi %mul3A_119, %add3A_120 : i32
      %mul3A_122 = arith.constant 16 : i32
      %mul3A_123 = arith.muli %add3A_121, %mul3A_122 : i32
      %swap3A_124 = arith.index_cast %mul3A_123 : i32 to index
      %swap3A_125 = tpu.vector_load %arg4[%swap3A_124] {strides = array<i32>} : memref<32768xi32, #tpu.memory_space<vmem>>, vector<16xi32>,
      tpu.vector_store %arg4[%swap3A_124], %broadcast_in_dim3A_117 {strides = array<i32>} : memref<32768xi32, #tpu.memory_space<vmem>>, vector<16xi32>,
      %broadcast_in_dim3A_126 = arith.constant 0 : i32
      %broadcast_in_dim3A_127 = vector.broadcast %broadcast_in_dim3A_126 : i32 to vector<16xi32>
      %mul3A_128 = arith.constant 8 : i32
      %mul3A_129 = arith.muli %scan3A_76, %mul3A_128 : i32
      %add3A_130 = arith.constant 5 : i32
      %add3A_131 = arith.addi %mul3A_129, %add3A_130 : i32
      %mul3A_132 = arith.constant 16 : i32
      %mul3A_133 = arith.muli %add3A_131, %mul3A_132 : i32
      %swap3A_134 = arith.index_cast %mul3A_133 : i32 to index
      %swap3A_135 = tpu.vector_load %arg4[%swap3A_134] {strides = array<i32>} : memref<32768xi32, #tpu.memory_space<vmem>>, vector<16xi32>,
      tpu.vector_store %arg4[%swap3A_134], %broadcast_in_dim3A_127 {strides = array<i32>} : memref<32768xi32, #tpu.memory_space<vmem>>, vector<16xi32>,
      %broadcast_in_dim3A_136 = arith.constant 0 : i32
      %broadcast_in_dim3A_137 = vector.broadcast %broadcast_in_dim3A_136 : i32 to vector<16xi32>
      %mul3A_138 = arith.constant 8 : i32
      %mul3A_139 = arith.muli %scan3A_76, %mul3A_138 : i32
      %add3A_140 = arith.constant 6 : i32
      %add3A_141 = arith.addi %mul3A_139, %add3A_140 : i32
      %mul3A_142 = arith.constant 16 : i32
      %mul3A_143 = arith.muli %add3A_141, %mul3A_142 : i32
      %swap3A_144 = arith.index_cast %mul3A_143 : i32 to index
      %swap3A_145 = tpu.vector_load %arg4[%swap3A_144] {strides = array<i32>} : memref<32768xi32, #tpu.memory_space<vmem>>, vector<16xi32>,
      tpu.vector_store %arg4[%swap3A_144], %broadcast_in_dim3A_137 {strides = array<i32>} : memref<32768xi32, #tpu.memory_space<vmem>>, vector<16xi32>,
      %broadcast_in_dim3A_146 = arith.constant 0 : i32
      %broadcast_in_dim3A_147 = vector.broadcast %broadcast_in_dim3A_146 : i32 to vector<16xi32>
      %mul3A_148 = arith.constant 8 : i32
      %mul3A_149 = arith.muli %scan3A_76, %mul3A_148 : i32
      %add3A_150 = arith.constant 7 : i32
      %add3A_151 = arith.addi %mul3A_149, %add3A_150 : i32
      %mul3A_152 = arith.constant 16 : i32
      %mul3A_153 = arith.muli %add3A_151, %mul3A_152 : i32
      %swap3A_154 = arith.index_cast %mul3A_153 : i32 to index
      %swap3A_155 = tpu.vector_load %arg4[%swap3A_154] {strides = array<i32>} : memref<32768xi32, #tpu.memory_space<vmem>>, vector<16xi32>,
      tpu.vector_store %arg4[%swap3A_154], %broadcast_in_dim3A_147 {strides = array<i32>} : memref<32768xi32, #tpu.memory_space<vmem>>, vector<16xi32>,
    }
    %scan3A_8 = arith.constant 256 : i32
    %add3A_9 = arith.constant 0 : i32
    %add3A_10 = arith.addi %mul3A_2, %add3A_9 : i32
    %dma_start3A = arith.constant 0 : i32
    %dma_start3A_11 = arith.constant 0 : i32
    %dma_start3A_12 = arith.constant 0 : i32
    %dma_start3A_13 = tpu.memref_slice %arg5[%dma_start3A, %dma_start3A_11, %dma_start3A_12] : memref<4x8x2048xf32, #tpu.memory_space<vmem>> -> memref<1x8x2048xf32, #tpu.memory_space<vmem>>
    %dma_start3A_14 = tpu.memref_squeeze %dma_start3A_13 : memref<1x8x2048xf32, #tpu.memory_space<vmem>> -> memref<8x2048xf32, #tpu.memory_space<vmem>>
    %dma_start3A_15 = arith.constant 0 : i32
    %dma_start3A_16 = tpu.memref_slice %arg2[%add3A_10, %dma_start3A_15] : memref<8192x2048xf32, #tpu.memory_space<hbm>> -> memref<8x2048xf32, #tpu.memory_space<hbm>>
    %dma_start3A_17 = arith.constant 0 : i32
    %dma_start3A_18 = arith.constant 0 : i32
    %dma_start3A_19 = tpu.memref_slice %arg5[%dma_start3A, %dma_start3A_17, %dma_start3A_18] : memref<4x8x2048xf32, #tpu.memory_space<vmem>> -> memref<1x8x2048xf32, #tpu.memory_space<vmem>>
    %dma_start3A_20 = tpu.memref_squeeze %dma_start3A_19 : memref<1x8x2048xf32, #tpu.memory_space<vmem>> -> memref<8x2048xf32, #tpu.memory_space<vmem>>
    %dma_start3A_21 = arith.constant 0 : i32
    %dma_start3A_22 = tpu.memref_slice %arg2[%add3A_10, %dma_start3A_21] : memref<8192x2048xf32, #tpu.memory_space<hbm>> -> memref<8x2048xf32, #tpu.memory_space<hbm>>
    tpu.enqueue_dma source(%dma_start3A_22 : memref<8x2048xf32, #tpu.memory_space<hbm>>) target(%dma_start3A_20 : memref<8x2048xf32, #tpu.memory_space<vmem>>) target_semaphore(%arg6 : memref<!tpu.dma_semaphore, #tpu.memory_space<semaphore_mem>>)
    %add3A_23 = arith.constant 8 : i32
    %add3A_24 = arith.addi %mul3A_2, %add3A_23 : i32
    %dma_start3A_25 = arith.constant 1 : i32
    %dma_start3A_26 = arith.constant 0 : i32
    %dma_start3A_27 = arith.constant 0 : i32
    %dma_start3A_28 = tpu.memref_slice %arg5[%dma_start3A_25, %dma_start3A_26, %dma_start3A_27] : memref<4x8x2048xf32, #tpu.memory_space<vmem>> -> memref<1x8x2048xf32, #tpu.memory_space<vmem>>
    %dma_start3A_29 = tpu.memref_squeeze %dma_start3A_28 : memref<1x8x2048xf32, #tpu.memory_space<vmem>> -> memref<8x2048xf32, #tpu.memory_space<vmem>>
    %dma_start3A_30 = arith.constant 0 : i32
    %dma_start3A_31 = tpu.memref_slice %arg2[%add3A_24, %dma_start3A_30] : memref<8192x2048xf32, #tpu.memory_space<hbm>> -> memref<8x2048xf32, #tpu.memory_space<hbm>>
    %dma_start3A_32 = arith.constant 0 : i32
    %dma_start3A_33 = arith.constant 0 : i32
    %dma_start3A_34 = tpu.memref_slice %arg5[%dma_start3A_25, %dma_start3A_32, %dma_start3A_33] : memref<4x8x2048xf32, #tpu.memory_space<vmem>> -> memref<1x8x2048xf32, #tpu.memory_space<vmem>>
    %dma_start3A_35 = tpu.memref_squeeze %dma_start3A_34 : memref<1x8x2048xf32, #tpu.memory_space<vmem>> -> memref<8x2048xf32, #tpu.memory_space<vmem>>
    %dma_start3A_36 = arith.constant 0 : i32
    %dma_start3A_37 = tpu.memref_slice %arg2[%add3A_24, %dma_start3A_36] : memref<8192x2048xf32, #tpu.memory_space<hbm>> -> memref<8x2048xf32, #tpu.memory_space<hbm>>
    tpu.enqueue_dma source(%dma_start3A_37 : memref<8x2048xf32, #tpu.memory_space<hbm>>) target(%dma_start3A_35 : memref<8x2048xf32, #tpu.memory_space<vmem>>) target_semaphore(%arg7 : memref<!tpu.dma_semaphore, #tpu.memory_space<semaphore_mem>>)
    %add3A_38 = arith.constant 16 : i32
    %add3A_39 = arith.addi %mul3A_2, %add3A_38 : i32
    %dma_start3A_40 = arith.constant 2 : i32
    %dma_start3A_41 = arith.constant 0 : i32
    %dma_start3A_42 = arith.constant 0 : i32
    %dma_start3A_43 = tpu.memref_slice %arg5[%dma_start3A_40, %dma_start3A_41, %dma_start3A_42] : memref<4x8x2048xf32, #tpu.memory_space<vmem>> -> memref<1x8x2048xf32, #tpu.memory_space<vmem>>
    %dma_start3A_44 = tpu.memref_squeeze %dma_start3A_43 : memref<1x8x2048xf32, #tpu.memory_space<vmem>> -> memref<8x2048xf32, #tpu.memory_space<vmem>>
    %dma_start3A_45 = arith.constant 0 : i32
    %dma_start3A_46 = tpu.memref_slice %arg2[%add3A_39, %dma_start3A_45] : memref<8192x2048xf32, #tpu.memory_space<hbm>> -> memref<8x2048xf32, #tpu.memory_space<hbm>>
    %dma_start3A_47 = arith.constant 0 : i32
    %dma_start3A_48 = arith.constant 0 : i32
    %dma_start3A_49 = tpu.memref_slice %arg5[%dma_start3A_40, %dma_start3A_47, %dma_start3A_48] : memref<4x8x2048xf32, #tpu.memory_space<vmem>> -> memref<1x8x2048xf32, #tpu.memory_space<vmem>>
    %dma_start3A_50 = tpu.memref_squeeze %dma_start3A_49 : memref<1x8x2048xf32, #tpu.memory_space<vmem>> -> memref<8x2048xf32, #tpu.memory_space<vmem>>
    %dma_start3A_51 = arith.constant 0 : i32
    %dma_start3A_52 = tpu.memref_slice %arg2[%add3A_39, %dma_start3A_51] : memref<8192x2048xf32, #tpu.memory_space<hbm>> -> memref<8x2048xf32, #tpu.memory_space<hbm>>
    tpu.enqueue_dma source(%dma_start3A_52 : memref<8x2048xf32, #tpu.memory_space<hbm>>) target(%dma_start3A_50 : memref<8x2048xf32, #tpu.memory_space<vmem>>) target_semaphore(%arg8 : memref<!tpu.dma_semaphore, #tpu.memory_space<semaphore_mem>>)
    %add3A_53 = arith.constant 24 : i32
    %add3A_54 = arith.addi %mul3A_2, %add3A_53 : i32
    %dma_start3A_55 = arith.constant 3 : i32
    %dma_start3A_56 = arith.constant 0 : i32
    %dma_start3A_57 = arith.constant 0 : i32
    %dma_start3A_58 = tpu.memref_slice %arg5[%dma_start3A_55, %dma_start3A_56, %dma_start3A_57] : memref<4x8x2048xf32, #tpu.memory_space<vmem>> -> memref<1x8x2048xf32, #tpu.memory_space<vmem>>
    %dma_start3A_59 = tpu.memref_squeeze %dma_start3A_58 : memref<1x8x2048xf32, #tpu.memory_space<vmem>> -> memref<8x2048xf32, #tpu.memory_space<vmem>>
    %dma_start3A_60 = arith.constant 0 : i32
    %dma_start3A_61 = tpu.memref_slice %arg2[%add3A_54, %dma_start3A_60] : memref<8192x2048xf32, #tpu.memory_space<hbm>> -> memref<8x2048xf32, #tpu.memory_space<hbm>>
    %dma_start3A_62 = arith.constant 0 : i32
    %dma_start3A_63 = arith.constant 0 : i32
    %dma_start3A_64 = tpu.memref_slice %arg5[%dma_start3A_55, %dma_start3A_62, %dma_start3A_63] : memref<4x8x2048xf32, #tpu.memory_space<vmem>> -> memref<1x8x2048xf32, #tpu.memory_space<vmem>>
    %dma_start3A_65 = tpu.memref_squeeze %dma_start3A_64 : memref<1x8x2048xf32, #tpu.memory_space<vmem>> -> memref<8x2048xf32, #tpu.memory_space<vmem>>
    %dma_start3A_66 = arith.constant 0 : i32
    %dma_start3A_67 = tpu.memref_slice %arg2[%add3A_54, %dma_start3A_66] : memref<8192x2048xf32, #tpu.memory_space<hbm>> -> memref<8x2048xf32, #tpu.memory_space<hbm>>
    tpu.enqueue_dma source(%dma_start3A_67 : memref<8x2048xf32, #tpu.memory_space<hbm>>) target(%dma_start3A_65 : memref<8x2048xf32, #tpu.memory_space<vmem>>) target_semaphore(%arg9 : memref<!tpu.dma_semaphore, #tpu.memory_space<semaphore_mem>>)
    %scan3A_68 = arith.constant 0 : i32
    %scan3A_69 = arith.constant 0 : i32
    %scan3A_70 = arith.constant 8 : i32
    %scan3A_71 = arith.addi %scan3A_69, %scan3A_70 : i32
    %scan3A_72 = arith.constant 1 : i32
    scf.for %scan3A_76 = %scan3A_69 to %scan3A_71 step %scan3A_72  : i32 {
      %mul3A_77 = arith.constant 4 : i32
      %mul3A_78 = arith.muli %mul3A_77, %scan3A_76 : i32
      %add3A_79 = arith.constant 0 : i32
      %add3A_80 = arith.addi %mul3A_78, %add3A_79 : i32
      %mul3A_81 = arith.constant 8 : i32
      %mul3A_82 = arith.muli %add3A_80, %mul3A_81 : i32
      %add3A_83 = arith.addi %mul3A_2, %mul3A_82 : i32
      %dma_wait3A = arith.constant 0 : i32
      %dma_wait3A_84 = arith.constant 0 : i32
      %dma_wait3A_85 = arith.constant 0 : i32
      %dma_wait3A_86 = tpu.memref_slice %arg5[%dma_wait3A, %dma_wait3A_84, %dma_wait3A_85] : memref<4x8x2048xf32, #tpu.memory_space<vmem>> -> memref<1x8x2048xf32, #tpu.memory_space<vmem>>
      %dma_wait3A_87 = tpu.memref_squeeze %dma_wait3A_86 : memref<1x8x2048xf32, #tpu.memory_space<vmem>> -> memref<8x2048xf32, #tpu.memory_space<vmem>>
      %dma_wait3A_88 = arith.constant 0 : i32
      %dma_wait3A_89 = tpu.memref_slice %arg2[%add3A_83, %dma_wait3A_88] : memref<8192x2048xf32, #tpu.memory_space<hbm>> -> memref<8x2048xf32, #tpu.memory_space<hbm>>
      %dma_wait3A_90 = arith.constant 0 : i32
      %dma_wait3A_91 = arith.constant 0 : i32
      %dma_wait3A_92 = tpu.memref_slice %arg5[%dma_wait3A, %dma_wait3A_90, %dma_wait3A_91] : memref<4x8x2048xf32, #tpu.memory_space<vmem>> -> memref<1x8x2048xf32, #tpu.memory_space<vmem>>
      %dma_wait3A_93 = tpu.memref_squeeze %dma_wait3A_92 : memref<1x8x2048xf32, #tpu.memory_space<vmem>> -> memref<8x2048xf32, #tpu.memory_space<vmem>>
      %dma_wait3A_94 = arith.constant 0 : i32
      %dma_wait3A_95 = tpu.memref_slice %arg2[%add3A_83, %dma_wait3A_94] : memref<8192x2048xf32, #tpu.memory_space<hbm>> -> memref<8x2048xf32, #tpu.memory_space<hbm>>
      tpu.wait_dma2 semaphore(%arg6 : memref<!tpu.dma_semaphore, #tpu.memory_space<semaphore_mem>>) src(%dma_wait3A_95 : memref<8x2048xf32, #tpu.memory_space<hbm>>) dst(%dma_wait3A_93 : memref<8x2048xf32, #tpu.memory_space<vmem>>)
      %parallel_loop3A = arith.constant 0 : i32
      %parallel_loop3A_96 = arith.constant 128 : i32
      %parallel_loop3A_97 = arith.constant 1 : i32
      scf.for %parallel_loop3A_192 = %parallel_loop3A to %parallel_loop3A_96 step %parallel_loop3A_97  : i32 {
        %parallel_loop3A_193 = arith.constant 16 : i32
        %parallel_loop3A_194 = arith.muli %parallel_loop3A_192, %parallel_loop3A_193 : i32
        %parallel_loop3A_195 = arith.constant 0 : i32
        %parallel_loop3A_196 = arith.constant 0 : i32
        %parallel_loop3A_197 = arith.index_cast %parallel_loop3A_195 : i32 to index
        %parallel_loop3A_198 = arith.index_cast %parallel_loop3A_196 : i32 to index
        %parallel_loop3A_199 = arith.index_cast %parallel_loop3A_194 : i32 to index
        %parallel_loop3A_200 = tpu.vector_load %arg5[%parallel_loop3A_197, %parallel_loop3A_198, %parallel_loop3A_199] {strides = array<i32>} : memref<4x8x2048xf32, #tpu.memory_space<vmem>>, vector<16xf32>,
        %parallel_loop3A_201 = vector.bitcast %parallel_loop3A_200 : vector<16xf32> to vector<16xi32>
        %parallel_loop3A_202 = arith.constant 1 : i32
        %parallel_loop3A_203 = vector.broadcast %parallel_loop3A_202 : i32 to vector<16xi32>
        %parallel_loop3A_204 = arith.shli %parallel_loop3A_201, %parallel_loop3A_203 : vector<16xi32>
        %parallel_loop3A_205 = arith.constant 17 : i32
        %parallel_loop3A_206 = vector.broadcast %parallel_loop3A_205 : i32 to vector<16xi32>
        %parallel_loop3A_207 = arith.shrui %parallel_loop3A_204, %parallel_loop3A_206 : vector<16xi32>
        %parallel_loop3A_208 = vector.bitcast %parallel_loop3A_207 : vector<16xi32> to vector<16xi32>
        tpu.vector_store_idx %arg4[%parallel_loop3A_208], %broadcast_in_dim3A_3 {add = true} : memref<32768xi32, #tpu.memory_space<vmem>>[vector<16xi32>], vector<16xi32>,
        %parallel_loop3A_209 = arith.constant 16 : i32
        %parallel_loop3A_210 = arith.muli %parallel_loop3A_192, %parallel_loop3A_209 : i32
        %parallel_loop3A_211 = arith.constant 0 : i32
        %parallel_loop3A_212 = arith.constant 1 : i32
        %parallel_loop3A_213 = arith.index_cast %parallel_loop3A_211 : i32 to index
        %parallel_loop3A_214 = arith.index_cast %parallel_loop3A_212 : i32 to index
        %parallel_loop3A_215 = arith.index_cast %parallel_loop3A_210 : i32 to index
        %parallel_loop3A_216 = tpu.vector_load %arg5[%parallel_loop3A_213, %parallel_loop3A_214, %parallel_loop3A_215] {strides = array<i32>} : memref<4x8x2048xf32, #tpu.memory_space<vmem>>, vector<16xf32>,
        %parallel_loop3A_217 = vector.bitcast %parallel_loop3A_216 : vector<16xf32> to vector<16xi32>
        %parallel_loop3A_218 = arith.constant 1 : i32
        %parallel_loop3A_219 = vector.broadcast %parallel_loop3A_218 : i32 to vector<16xi32>
        %parallel_loop3A_220 = arith.shli %parallel_loop3A_217, %parallel_loop3A_219 : vector<16xi32>
        %parallel_loop3A_221 = arith.constant 17 : i32
        %parallel_loop3A_222 = vector.broadcast %parallel_loop3A_221 : i32 to vector<16xi32>
        %parallel_loop3A_223 = arith.shrui %parallel_loop3A_220, %parallel_loop3A_222 : vector<16xi32>
        %parallel_loop3A_224 = vector.bitcast %parallel_loop3A_223 : vector<16xi32> to vector<16xi32>
        tpu.vector_store_idx %arg4[%parallel_loop3A_224], %broadcast_in_dim3A_3 {add = true} : memref<32768xi32, #tpu.memory_space<vmem>>[vector<16xi32>], vector<16xi32>,
        %parallel_loop3A_225 = arith.constant 16 : i32
        %parallel_loop3A_226 = arith.muli %parallel_loop3A_192, %parallel_loop3A_225 : i32
        %parallel_loop3A_227 = arith.constant 0 : i32
        %parallel_loop3A_228 = arith.constant 2 : i32
        %parallel_loop3A_229 = arith.index_cast %parallel_loop3A_227 : i32 to index
        %parallel_loop3A_230 = arith.index_cast %parallel_loop3A_228 : i32 to index
        %parallel_loop3A_231 = arith.index_cast %parallel_loop3A_226 : i32 to index
        %parallel_loop3A_232 = tpu.vector_load %arg5[%parallel_loop3A_229, %parallel_loop3A_230, %parallel_loop3A_231] {strides = array<i32>} : memref<4x8x2048xf32, #tpu.memory_space<vmem>>, vector<16xf32>,
        %parallel_loop3A_233 = vector.bitcast %parallel_loop3A_232 : vector<16xf32> to vector<16xi32>
        %parallel_loop3A_234 = arith.constant 1 : i32
        %parallel_loop3A_235 = vector.broadcast %parallel_loop3A_234 : i32 to vector<16xi32>
        %parallel_loop3A_236 = arith.shli %parallel_loop3A_233, %parallel_loop3A_235 : vector<16xi32>
        %parallel_loop3A_237 = arith.constant 17 : i32
        %parallel_loop3A_238 = vector.broadcast %parallel_loop3A_237 : i32 to vector<16xi32>
        %parallel_loop3A_239 = arith.shrui %parallel_loop3A_236, %parallel_loop3A_238 : vector<16xi32>
        %parallel_loop3A_240 = vector.bitcast %parallel_loop3A_239 : vector<16xi32> to vector<16xi32>
        tpu.vector_store_idx %arg4[%parallel_loop3A_240], %broadcast_in_dim3A_3 {add = true} : memref<32768xi32, #tpu.memory_space<vmem>>[vector<16xi32>], vector<16xi32>,
        %parallel_loop3A_241 = arith.constant 16 : i32
        %parallel_loop3A_242 = arith.muli %parallel_loop3A_192, %parallel_loop3A_241 : i32
        %parallel_loop3A_243 = arith.constant 0 : i32
        %parallel_loop3A_244 = arith.constant 3 : i32
        %parallel_loop3A_245 = arith.index_cast %parallel_loop3A_243 : i32 to index
        %parallel_loop3A_246 = arith.index_cast %parallel_loop3A_244 : i32 to index
        %parallel_loop3A_247 = arith.index_cast %parallel_loop3A_242 : i32 to index
        %parallel_loop3A_248 = tpu.vector_load %arg5[%parallel_loop3A_245, %parallel_loop3A_246, %parallel_loop3A_247] {strides = array<i32>} : memref<4x8x2048xf32, #tpu.memory_space<vmem>>, vector<16xf32>,
        %parallel_loop3A_249 = vector.bitcast %parallel_loop3A_248 : vector<16xf32> to vector<16xi32>
        %parallel_loop3A_250 = arith.constant 1 : i32
        %parallel_loop3A_251 = vector.broadcast %parallel_loop3A_250 : i32 to vector<16xi32>
        %parallel_loop3A_252 = arith.shli %parallel_loop3A_249, %parallel_loop3A_251 : vector<16xi32>
        %parallel_loop3A_253 = arith.constant 17 : i32
        %parallel_loop3A_254 = vector.broadcast %parallel_loop3A_253 : i32 to vector<16xi32>
        %parallel_loop3A_255 = arith.shrui %parallel_loop3A_252, %parallel_loop3A_254 : vector<16xi32>
        %parallel_loop3A_256 = vector.bitcast %parallel_loop3A_255 : vector<16xi32> to vector<16xi32>
        tpu.vector_store_idx %arg4[%parallel_loop3A_256], %broadcast_in_dim3A_3 {add = true} : memref<32768xi32, #tpu.memory_space<vmem>>[vector<16xi32>], vector<16xi32>,
        %parallel_loop3A_257 = arith.constant 16 : i32
        %parallel_loop3A_258 = arith.muli %parallel_loop3A_192, %parallel_loop3A_257 : i32
        %parallel_loop3A_259 = arith.constant 0 : i32
        %parallel_loop3A_260 = arith.constant 4 : i32
        %parallel_loop3A_261 = arith.index_cast %parallel_loop3A_259 : i32 to index
        %parallel_loop3A_262 = arith.index_cast %parallel_loop3A_260 : i32 to index
        %parallel_loop3A_263 = arith.index_cast %parallel_loop3A_258 : i32 to index
        %parallel_loop3A_264 = tpu.vector_load %arg5[%parallel_loop3A_261, %parallel_loop3A_262, %parallel_loop3A_263] {strides = array<i32>} : memref<4x8x2048xf32, #tpu.memory_space<vmem>>, vector<16xf32>,
        %parallel_loop3A_265 = vector.bitcast %parallel_loop3A_264 : vector<16xf32> to vector<16xi32>
        %parallel_loop3A_266 = arith.constant 1 : i32
        %parallel_loop3A_267 = vector.broadcast %parallel_loop3A_266 : i32 to vector<16xi32>
        %parallel_loop3A_268 = arith.shli %parallel_loop3A_265, %parallel_loop3A_267 : vector<16xi32>
        %parallel_loop3A_269 = arith.constant 17 : i32
        %parallel_loop3A_270 = vector.broadcast %parallel_loop3A_269 : i32 to vector<16xi32>
        %parallel_loop3A_271 = arith.shrui %parallel_loop3A_268, %parallel_loop3A_270 : vector<16xi32>
        %parallel_loop3A_272 = vector.bitcast %parallel_loop3A_271 : vector<16xi32> to vector<16xi32>
        tpu.vector_store_idx %arg4[%parallel_loop3A_272], %broadcast_in_dim3A_3 {add = true} : memref<32768xi32, #tpu.memory_space<vmem>>[vector<16xi32>], vector<16xi32>,
        %parallel_loop3A_273 = arith.constant 16 : i32
        %parallel_loop3A_274 = arith.muli %parallel_loop3A_192, %parallel_loop3A_273 : i32
        %parallel_loop3A_275 = arith.constant 0 : i32
        %parallel_loop3A_276 = arith.constant 5 : i32
        %parallel_loop3A_277 = arith.index_cast %parallel_loop3A_275 : i32 to index
        %parallel_loop3A_278 = arith.index_cast %parallel_loop3A_276 : i32 to index
        %parallel_loop3A_279 = arith.index_cast %parallel_loop3A_274 : i32 to index
        %parallel_loop3A_280 = tpu.vector_load %arg5[%parallel_loop3A_277, %parallel_loop3A_278, %parallel_loop3A_279] {strides = array<i32>} : memref<4x8x2048xf32, #tpu.memory_space<vmem>>, vector<16xf32>,
        %parallel_loop3A_281 = vector.bitcast %parallel_loop3A_280 : vector<16xf32> to vector<16xi32>
        %parallel_loop3A_282 = arith.constant 1 : i32
        %parallel_loop3A_283 = vector.broadcast %parallel_loop3A_282 : i32 to vector<16xi32>
        %parallel_loop3A_284 = arith.shli %parallel_loop3A_281, %parallel_loop3A_283 : vector<16xi32>
        %parallel_loop3A_285 = arith.constant 17 : i32
        %parallel_loop3A_286 = vector.broadcast %parallel_loop3A_285 : i32 to vector<16xi32>
        %parallel_loop3A_287 = arith.shrui %parallel_loop3A_284, %parallel_loop3A_286 : vector<16xi32>
        %parallel_loop3A_288 = vector.bitcast %parallel_loop3A_287 : vector<16xi32> to vector<16xi32>
        tpu.vector_store_idx %arg4[%parallel_loop3A_288], %broadcast_in_dim3A_3 {add = true} : memref<32768xi32, #tpu.memory_space<vmem>>[vector<16xi32>], vector<16xi32>,
        %parallel_loop3A_289 = arith.constant 16 : i32
        %parallel_loop3A_290 = arith.muli %parallel_loop3A_192, %parallel_loop3A_289 : i32
        %parallel_loop3A_291 = arith.constant 0 : i32
        %parallel_loop3A_292 = arith.constant 6 : i32
        %parallel_loop3A_293 = arith.index_cast %parallel_loop3A_291 : i32 to index
        %parallel_loop3A_294 = arith.index_cast %parallel_loop3A_292 : i32 to index
        %parallel_loop3A_295 = arith.index_cast %parallel_loop3A_290 : i32 to index
        %parallel_loop3A_296 = tpu.vector_load %arg5[%parallel_loop3A_293, %parallel_loop3A_294, %parallel_loop3A_295] {strides = array<i32>} : memref<4x8x2048xf32, #tpu.memory_space<vmem>>, vector<16xf32>,
        %parallel_loop3A_297 = vector.bitcast %parallel_loop3A_296 : vector<16xf32> to vector<16xi32>
        %parallel_loop3A_298 = arith.constant 1 : i32
        %parallel_loop3A_299 = vector.broadcast %parallel_loop3A_298 : i32 to vector<16xi32>
        %parallel_loop3A_300 = arith.shli %parallel_loop3A_297, %parallel_loop3A_299 : vector<16xi32>
        %parallel_loop3A_301 = arith.constant 17 : i32
        %parallel_loop3A_302 = vector.broadcast %parallel_loop3A_301 : i32 to vector<16xi32>
        %parallel_loop3A_303 = arith.shrui %parallel_loop3A_300, %parallel_loop3A_302 : vector<16xi32>
        %parallel_loop3A_304 = vector.bitcast %parallel_loop3A_303 : vector<16xi32> to vector<16xi32>
        tpu.vector_store_idx %arg4[%parallel_loop3A_304], %broadcast_in_dim3A_3 {add = true} : memref<32768xi32, #tpu.memory_space<vmem>>[vector<16xi32>], vector<16xi32>,
        %parallel_loop3A_305 = arith.constant 16 : i32
        %parallel_loop3A_306 = arith.muli %parallel_loop3A_192, %parallel_loop3A_305 : i32
        %parallel_loop3A_307 = arith.constant 0 : i32
        %parallel_loop3A_308 = arith.constant 7 : i32
        %parallel_loop3A_309 = arith.index_cast %parallel_loop3A_307 : i32 to index
        %parallel_loop3A_310 = arith.index_cast %parallel_loop3A_308 : i32 to index
        %parallel_loop3A_311 = arith.index_cast %parallel_loop3A_306 : i32 to index
        %parallel_loop3A_312 = tpu.vector_load %arg5[%parallel_loop3A_309, %parallel_loop3A_310, %parallel_loop3A_311] {strides = array<i32>} : memref<4x8x2048xf32, #tpu.memory_space<vmem>>, vector<16xf32>,
        %parallel_loop3A_313 = vector.bitcast %parallel_loop3A_312 : vector<16xf32> to vector<16xi32>
        %parallel_loop3A_314 = arith.constant 1 : i32
        %parallel_loop3A_315 = vector.broadcast %parallel_loop3A_314 : i32 to vector<16xi32>
        %parallel_loop3A_316 = arith.shli %parallel_loop3A_313, %parallel_loop3A_315 : vector<16xi32>
        %parallel_loop3A_317 = arith.constant 17 : i32
        %parallel_loop3A_318 = vector.broadcast %parallel_loop3A_317 : i32 to vector<16xi32>
        %parallel_loop3A_319 = arith.shrui %parallel_loop3A_316, %parallel_loop3A_318 : vector<16xi32>
        %parallel_loop3A_320 = vector.bitcast %parallel_loop3A_319 : vector<16xi32> to vector<16xi32>
        tpu.vector_store_idx %arg4[%parallel_loop3A_320], %broadcast_in_dim3A_3 {add = true} : memref<32768xi32, #tpu.memory_space<vmem>>[vector<16xi32>], vector<16xi32>,
      } {sc.loop_unroll_factor = 1 : i64, sc.parallel_access}
      %add3A_98 = arith.constant 4 : i32
      %add3A_99 = arith.addi %add3A_80, %add3A_98 : i32
      %lt3A = arith.constant 32 : i32
      %lt3A_100 = arith.cmpi slt, %add3A_99, %lt3A : i32
      %convert_element_type3A = arith.extui %lt3A_100 : i1 to i32
      %cond3A = arith.constant 0 : i32
      %cond3A_101 = arith.cmpi ne, %convert_element_type3A, %cond3A : i32
      scf.if %cond3A_101 {
        %add3A_192 = arith.constant 4 : i32
        %add3A_193 = arith.addi %add3A_80, %add3A_192 : i32
        %mul3A_194 = arith.constant 8 : i32
        %mul3A_195 = arith.muli %add3A_193, %mul3A_194 : i32
        %add3A_196 = arith.addi %mul3A_2, %mul3A_195 : i32
        %dma_start3A_197 = arith.constant 0 : i32
        %dma_start3A_198 = arith.constant 0 : i32
        %dma_start3A_199 = arith.constant 0 : i32
        %dma_start3A_200 = tpu.memref_slice %arg5[%dma_start3A_197, %dma_start3A_198, %dma_start3A_199] : memref<4x8x2048xf32, #tpu.memory_space<vmem>> -> memref<1x8x2048xf32, #tpu.memory_space<vmem>>
        %dma_start3A_201 = tpu.memref_squeeze %dma_start3A_200 : memref<1x8x2048xf32, #tpu.memory_space<vmem>> -> memref<8x2048xf32, #tpu.memory_space<vmem>>
        %dma_start3A_202 = arith.constant 0 : i32
        %dma_start3A_203 = tpu.memref_slice %arg2[%add3A_196, %dma_start3A_202] : memref<8192x2048xf32, #tpu.memory_space<hbm>> -> memref<8x2048xf32, #tpu.memory_space<hbm>>
        %dma_start3A_204 = arith.constant 0 : i32
        %dma_start3A_205 = arith.constant 0 : i32
        %dma_start3A_206 = tpu.memref_slice %arg5[%dma_start3A_197, %dma_start3A_204, %dma_start3A_205] : memref<4x8x2048xf32, #tpu.memory_space<vmem>> -> memref<1x8x2048xf32, #tpu.memory_space<vmem>>
        %dma_start3A_207 = tpu.memref_squeeze %dma_start3A_206 : memref<1x8x2048xf32, #tpu.memory_space<vmem>> -> memref<8x2048xf32, #tpu.memory_space<vmem>>
        %dma_start3A_208 = arith.constant 0 : i32
        %dma_start3A_209 = tpu.memref_slice %arg2[%add3A_196, %dma_start3A_208] : memref<8192x2048xf32, #tpu.memory_space<hbm>> -> memref<8x2048xf32, #tpu.memory_space<hbm>>
        tpu.enqueue_dma source(%dma_start3A_209 : memref<8x2048xf32, #tpu.memory_space<hbm>>) target(%dma_start3A_207 : memref<8x2048xf32, #tpu.memory_space<vmem>>) target_semaphore(%arg6 : memref<!tpu.dma_semaphore, #tpu.memory_space<semaphore_mem>>)
      } else {
      }
      %mul3A_102 = arith.constant 4 : i32
      %mul3A_103 = arith.muli %mul3A_102, %scan3A_76 : i32
      %add3A_104 = arith.constant 1 : i32
      %add3A_105 = arith.addi %mul3A_103, %add3A_104 : i32
      %mul3A_106 = arith.constant 8 : i32
      %mul3A_107 = arith.muli %add3A_105, %mul3A_106 : i32
      %add3A_108 = arith.addi %mul3A_2, %mul3A_107 : i32
      %dma_wait3A_109 = arith.constant 1 : i32
      %dma_wait3A_110 = arith.constant 0 : i32
      %dma_wait3A_111 = arith.constant 0 : i32
      %dma_wait3A_112 = tpu.memref_slice %arg5[%dma_wait3A_109, %dma_wait3A_110, %dma_wait3A_111] : memref<4x8x2048xf32, #tpu.memory_space<vmem>> -> memref<1x8x2048xf32, #tpu.memory_space<vmem>>
      %dma_wait3A_113 = tpu.memref_squeeze %dma_wait3A_112 : memref<1x8x2048xf32, #tpu.memory_space<vmem>> -> memref<8x2048xf32, #tpu.memory_space<vmem>>
      %dma_wait3A_114 = arith.constant 0 : i32
      %dma_wait3A_115 = tpu.memref_slice %arg2[%add3A_108, %dma_wait3A_114] : memref<8192x2048xf32, #tpu.memory_space<hbm>> -> memref<8x2048xf32, #tpu.memory_space<hbm>>
      %dma_wait3A_116 = arith.constant 0 : i32
      %dma_wait3A_117 = arith.constant 0 : i32
      %dma_wait3A_118 = tpu.memref_slice %arg5[%dma_wait3A_109, %dma_wait3A_116, %dma_wait3A_117] : memref<4x8x2048xf32, #tpu.memory_space<vmem>> -> memref<1x8x2048xf32, #tpu.memory_space<vmem>>
      %dma_wait3A_119 = tpu.memref_squeeze %dma_wait3A_118 : memref<1x8x2048xf32, #tpu.memory_space<vmem>> -> memref<8x2048xf32, #tpu.memory_space<vmem>>
      %dma_wait3A_120 = arith.constant 0 : i32
      %dma_wait3A_121 = tpu.memref_slice %arg2[%add3A_108, %dma_wait3A_120] : memref<8192x2048xf32, #tpu.memory_space<hbm>> -> memref<8x2048xf32, #tpu.memory_space<hbm>>
      tpu.wait_dma2 semaphore(%arg7 : memref<!tpu.dma_semaphore, #tpu.memory_space<semaphore_mem>>) src(%dma_wait3A_121 : memref<8x2048xf32, #tpu.memory_space<hbm>>) dst(%dma_wait3A_119 : memref<8x2048xf32, #tpu.memory_space<vmem>>)
      %parallel_loop3A_122 = arith.constant 0 : i32
      %parallel_loop3A_123 = arith.constant 128 : i32
      %parallel_loop3A_124 = arith.constant 1 : i32
      scf.for %parallel_loop3A_192 = %parallel_loop3A_122 to %parallel_loop3A_123 step %parallel_loop3A_124  : i32 {
        %parallel_loop3A_193 = arith.constant 16 : i32
        %parallel_loop3A_194 = arith.muli %parallel_loop3A_192, %parallel_loop3A_193 : i32
        %parallel_loop3A_195 = arith.constant 1 : i32
        %parallel_loop3A_196 = arith.constant 0 : i32
        %parallel_loop3A_197 = arith.index_cast %parallel_loop3A_195 : i32 to index
        %parallel_loop3A_198 = arith.index_cast %parallel_loop3A_196 : i32 to index
        %parallel_loop3A_199 = arith.index_cast %parallel_loop3A_194 : i32 to index
        %parallel_loop3A_200 = tpu.vector_load %arg5[%parallel_loop3A_197, %parallel_loop3A_198, %parallel_loop3A_199] {strides = array<i32>} : memref<4x8x2048xf32, #tpu.memory_space<vmem>>, vector<16xf32>,
        %parallel_loop3A_201 = vector.bitcast %parallel_loop3A_200 : vector<16xf32> to vector<16xi32>
        %parallel_loop3A_202 = arith.constant 1 : i32
        %parallel_loop3A_203 = vector.broadcast %parallel_loop3A_202 : i32 to vector<16xi32>
        %parallel_loop3A_204 = arith.shli %parallel_loop3A_201, %parallel_loop3A_203 : vector<16xi32>
        %parallel_loop3A_205 = arith.constant 17 : i32
        %parallel_loop3A_206 = vector.broadcast %parallel_loop3A_205 : i32 to vector<16xi32>
        %parallel_loop3A_207 = arith.shrui %parallel_loop3A_204, %parallel_loop3A_206 : vector<16xi32>
        %parallel_loop3A_208 = vector.bitcast %parallel_loop3A_207 : vector<16xi32> to vector<16xi32>
        tpu.vector_store_idx %arg4[%parallel_loop3A_208], %broadcast_in_dim3A_3 {add = true} : memref<32768xi32, #tpu.memory_space<vmem>>[vector<16xi32>], vector<16xi32>,
        %parallel_loop3A_209 = arith.constant 16 : i32
        %parallel_loop3A_210 = arith.muli %parallel_loop3A_192, %parallel_loop3A_209 : i32
        %parallel_loop3A_211 = arith.constant 1 : i32
        %parallel_loop3A_212 = arith.constant 1 : i32
        %parallel_loop3A_213 = arith.index_cast %parallel_loop3A_211 : i32 to index
        %parallel_loop3A_214 = arith.index_cast %parallel_loop3A_212 : i32 to index
        %parallel_loop3A_215 = arith.index_cast %parallel_loop3A_210 : i32 to index
        %parallel_loop3A_216 = tpu.vector_load %arg5[%parallel_loop3A_213, %parallel_loop3A_214, %parallel_loop3A_215] {strides = array<i32>} : memref<4x8x2048xf32, #tpu.memory_space<vmem>>, vector<16xf32>,
        %parallel_loop3A_217 = vector.bitcast %parallel_loop3A_216 : vector<16xf32> to vector<16xi32>
        %parallel_loop3A_218 = arith.constant 1 : i32
        %parallel_loop3A_219 = vector.broadcast %parallel_loop3A_218 : i32 to vector<16xi32>
        %parallel_loop3A_220 = arith.shli %parallel_loop3A_217, %parallel_loop3A_219 : vector<16xi32>
        %parallel_loop3A_221 = arith.constant 17 : i32
        %parallel_loop3A_222 = vector.broadcast %parallel_loop3A_221 : i32 to vector<16xi32>
        %parallel_loop3A_223 = arith.shrui %parallel_loop3A_220, %parallel_loop3A_222 : vector<16xi32>
        %parallel_loop3A_224 = vector.bitcast %parallel_loop3A_223 : vector<16xi32> to vector<16xi32>
        tpu.vector_store_idx %arg4[%parallel_loop3A_224], %broadcast_in_dim3A_3 {add = true} : memref<32768xi32, #tpu.memory_space<vmem>>[vector<16xi32>], vector<16xi32>,
        %parallel_loop3A_225 = arith.constant 16 : i32
        %parallel_loop3A_226 = arith.muli %parallel_loop3A_192, %parallel_loop3A_225 : i32
        %parallel_loop3A_227 = arith.constant 1 : i32
        %parallel_loop3A_228 = arith.constant 2 : i32
        %parallel_loop3A_229 = arith.index_cast %parallel_loop3A_227 : i32 to index
        %parallel_loop3A_230 = arith.index_cast %parallel_loop3A_228 : i32 to index
        %parallel_loop3A_231 = arith.index_cast %parallel_loop3A_226 : i32 to index
        %parallel_loop3A_232 = tpu.vector_load %arg5[%parallel_loop3A_229, %parallel_loop3A_230, %parallel_loop3A_231] {strides = array<i32>} : memref<4x8x2048xf32, #tpu.memory_space<vmem>>, vector<16xf32>,
        %parallel_loop3A_233 = vector.bitcast %parallel_loop3A_232 : vector<16xf32> to vector<16xi32>
        %parallel_loop3A_234 = arith.constant 1 : i32
        %parallel_loop3A_235 = vector.broadcast %parallel_loop3A_234 : i32 to vector<16xi32>
        %parallel_loop3A_236 = arith.shli %parallel_loop3A_233, %parallel_loop3A_235 : vector<16xi32>
        %parallel_loop3A_237 = arith.constant 17 : i32
        %parallel_loop3A_238 = vector.broadcast %parallel_loop3A_237 : i32 to vector<16xi32>
        %parallel_loop3A_239 = arith.shrui %parallel_loop3A_236, %parallel_loop3A_238 : vector<16xi32>
        %parallel_loop3A_240 = vector.bitcast %parallel_loop3A_239 : vector<16xi32> to vector<16xi32>
        tpu.vector_store_idx %arg4[%parallel_loop3A_240], %broadcast_in_dim3A_3 {add = true} : memref<32768xi32, #tpu.memory_space<vmem>>[vector<16xi32>], vector<16xi32>,
        %parallel_loop3A_241 = arith.constant 16 : i32
        %parallel_loop3A_242 = arith.muli %parallel_loop3A_192, %parallel_loop3A_241 : i32
        %parallel_loop3A_243 = arith.constant 1 : i32
        %parallel_loop3A_244 = arith.constant 3 : i32
        %parallel_loop3A_245 = arith.index_cast %parallel_loop3A_243 : i32 to index
        %parallel_loop3A_246 = arith.index_cast %parallel_loop3A_244 : i32 to index
        %parallel_loop3A_247 = arith.index_cast %parallel_loop3A_242 : i32 to index
        %parallel_loop3A_248 = tpu.vector_load %arg5[%parallel_loop3A_245, %parallel_loop3A_246, %parallel_loop3A_247] {strides = array<i32>} : memref<4x8x2048xf32, #tpu.memory_space<vmem>>, vector<16xf32>,
        %parallel_loop3A_249 = vector.bitcast %parallel_loop3A_248 : vector<16xf32> to vector<16xi32>
        %parallel_loop3A_250 = arith.constant 1 : i32
        %parallel_loop3A_251 = vector.broadcast %parallel_loop3A_250 : i32 to vector<16xi32>
        %parallel_loop3A_252 = arith.shli %parallel_loop3A_249, %parallel_loop3A_251 : vector<16xi32>
        %parallel_loop3A_253 = arith.constant 17 : i32
        %parallel_loop3A_254 = vector.broadcast %parallel_loop3A_253 : i32 to vector<16xi32>
        %parallel_loop3A_255 = arith.shrui %parallel_loop3A_252, %parallel_loop3A_254 : vector<16xi32>
        %parallel_loop3A_256 = vector.bitcast %parallel_loop3A_255 : vector<16xi32> to vector<16xi32>
        tpu.vector_store_idx %arg4[%parallel_loop3A_256], %broadcast_in_dim3A_3 {add = true} : memref<32768xi32, #tpu.memory_space<vmem>>[vector<16xi32>], vector<16xi32>,
        %parallel_loop3A_257 = arith.constant 16 : i32
        %parallel_loop3A_258 = arith.muli %parallel_loop3A_192, %parallel_loop3A_257 : i32
        %parallel_loop3A_259 = arith.constant 1 : i32
        %parallel_loop3A_260 = arith.constant 4 : i32
        %parallel_loop3A_261 = arith.index_cast %parallel_loop3A_259 : i32 to index
        %parallel_loop3A_262 = arith.index_cast %parallel_loop3A_260 : i32 to index
        %parallel_loop3A_263 = arith.index_cast %parallel_loop3A_258 : i32 to index
        %parallel_loop3A_264 = tpu.vector_load %arg5[%parallel_loop3A_261, %parallel_loop3A_262, %parallel_loop3A_263] {strides = array<i32>} : memref<4x8x2048xf32, #tpu.memory_space<vmem>>, vector<16xf32>,
        %parallel_loop3A_265 = vector.bitcast %parallel_loop3A_264 : vector<16xf32> to vector<16xi32>
        %parallel_loop3A_266 = arith.constant 1 : i32
        %parallel_loop3A_267 = vector.broadcast %parallel_loop3A_266 : i32 to vector<16xi32>
        %parallel_loop3A_268 = arith.shli %parallel_loop3A_265, %parallel_loop3A_267 : vector<16xi32>
        %parallel_loop3A_269 = arith.constant 17 : i32
        %parallel_loop3A_270 = vector.broadcast %parallel_loop3A_269 : i32 to vector<16xi32>
        %parallel_loop3A_271 = arith.shrui %parallel_loop3A_268, %parallel_loop3A_270 : vector<16xi32>
        %parallel_loop3A_272 = vector.bitcast %parallel_loop3A_271 : vector<16xi32> to vector<16xi32>
        tpu.vector_store_idx %arg4[%parallel_loop3A_272], %broadcast_in_dim3A_3 {add = true} : memref<32768xi32, #tpu.memory_space<vmem>>[vector<16xi32>], vector<16xi32>,
        %parallel_loop3A_273 = arith.constant 16 : i32
        %parallel_loop3A_274 = arith.muli %parallel_loop3A_192, %parallel_loop3A_273 : i32
        %parallel_loop3A_275 = arith.constant 1 : i32
        %parallel_loop3A_276 = arith.constant 5 : i32
        %parallel_loop3A_277 = arith.index_cast %parallel_loop3A_275 : i32 to index
        %parallel_loop3A_278 = arith.index_cast %parallel_loop3A_276 : i32 to index
        %parallel_loop3A_279 = arith.index_cast %parallel_loop3A_274 : i32 to index
        %parallel_loop3A_280 = tpu.vector_load %arg5[%parallel_loop3A_277, %parallel_loop3A_278, %parallel_loop3A_279] {strides = array<i32>} : memref<4x8x2048xf32, #tpu.memory_space<vmem>>, vector<16xf32>,
        %parallel_loop3A_281 = vector.bitcast %parallel_loop3A_280 : vector<16xf32> to vector<16xi32>
        %parallel_loop3A_282 = arith.constant 1 : i32
        %parallel_loop3A_283 = vector.broadcast %parallel_loop3A_282 : i32 to vector<16xi32>
        %parallel_loop3A_284 = arith.shli %parallel_loop3A_281, %parallel_loop3A_283 : vector<16xi32>
        %parallel_loop3A_285 = arith.constant 17 : i32
        %parallel_loop3A_286 = vector.broadcast %parallel_loop3A_285 : i32 to vector<16xi32>
        %parallel_loop3A_287 = arith.shrui %parallel_loop3A_284, %parallel_loop3A_286 : vector<16xi32>
        %parallel_loop3A_288 = vector.bitcast %parallel_loop3A_287 : vector<16xi32> to vector<16xi32>
        tpu.vector_store_idx %arg4[%parallel_loop3A_288], %broadcast_in_dim3A_3 {add = true} : memref<32768xi32, #tpu.memory_space<vmem>>[vector<16xi32>], vector<16xi32>,
        %parallel_loop3A_289 = arith.constant 16 : i32
        %parallel_loop3A_290 = arith.muli %parallel_loop3A_192, %parallel_loop3A_289 : i32
        %parallel_loop3A_291 = arith.constant 1 : i32
        %parallel_loop3A_292 = arith.constant 6 : i32
        %parallel_loop3A_293 = arith.index_cast %parallel_loop3A_291 : i32 to index
        %parallel_loop3A_294 = arith.index_cast %parallel_loop3A_292 : i32 to index
        %parallel_loop3A_295 = arith.index_cast %parallel_loop3A_290 : i32 to index
        %parallel_loop3A_296 = tpu.vector_load %arg5[%parallel_loop3A_293, %parallel_loop3A_294, %parallel_loop3A_295] {strides = array<i32>} : memref<4x8x2048xf32, #tpu.memory_space<vmem>>, vector<16xf32>,
        %parallel_loop3A_297 = vector.bitcast %parallel_loop3A_296 : vector<16xf32> to vector<16xi32>
        %parallel_loop3A_298 = arith.constant 1 : i32
        %parallel_loop3A_299 = vector.broadcast %parallel_loop3A_298 : i32 to vector<16xi32>
        %parallel_loop3A_300 = arith.shli %parallel_loop3A_297, %parallel_loop3A_299 : vector<16xi32>
        %parallel_loop3A_301 = arith.constant 17 : i32
        %parallel_loop3A_302 = vector.broadcast %parallel_loop3A_301 : i32 to vector<16xi32>
        %parallel_loop3A_303 = arith.shrui %parallel_loop3A_300, %parallel_loop3A_302 : vector<16xi32>
        %parallel_loop3A_304 = vector.bitcast %parallel_loop3A_303 : vector<16xi32> to vector<16xi32>
        tpu.vector_store_idx %arg4[%parallel_loop3A_304], %broadcast_in_dim3A_3 {add = true} : memref<32768xi32, #tpu.memory_space<vmem>>[vector<16xi32>], vector<16xi32>,
        %parallel_loop3A_305 = arith.constant 16 : i32
        %parallel_loop3A_306 = arith.muli %parallel_loop3A_192, %parallel_loop3A_305 : i32
        %parallel_loop3A_307 = arith.constant 1 : i32
        %parallel_loop3A_308 = arith.constant 7 : i32
        %parallel_loop3A_309 = arith.index_cast %parallel_loop3A_307 : i32 to index
        %parallel_loop3A_310 = arith.index_cast %parallel_loop3A_308 : i32 to index
        %parallel_loop3A_311 = arith.index_cast %parallel_loop3A_306 : i32 to index
        %parallel_loop3A_312 = tpu.vector_load %arg5[%parallel_loop3A_309, %parallel_loop3A_310, %parallel_loop3A_311] {strides = array<i32>} : memref<4x8x2048xf32, #tpu.memory_space<vmem>>, vector<16xf32>,
        %parallel_loop3A_313 = vector.bitcast %parallel_loop3A_312 : vector<16xf32> to vector<16xi32>
        %parallel_loop3A_314 = arith.constant 1 : i32
        %parallel_loop3A_315 = vector.broadcast %parallel_loop3A_314 : i32 to vector<16xi32>
        %parallel_loop3A_316 = arith.shli %parallel_loop3A_313, %parallel_loop3A_315 : vector<16xi32>
        %parallel_loop3A_317 = arith.constant 17 : i32
        %parallel_loop3A_318 = vector.broadcast %parallel_loop3A_317 : i32 to vector<16xi32>
        %parallel_loop3A_319 = arith.shrui %parallel_loop3A_316, %parallel_loop3A_318 : vector<16xi32>
        %parallel_loop3A_320 = vector.bitcast %parallel_loop3A_319 : vector<16xi32> to vector<16xi32>
        tpu.vector_store_idx %arg4[%parallel_loop3A_320], %broadcast_in_dim3A_3 {add = true} : memref<32768xi32, #tpu.memory_space<vmem>>[vector<16xi32>], vector<16xi32>,
      } {sc.loop_unroll_factor = 1 : i64, sc.parallel_access}
      %add3A_125 = arith.constant 4 : i32
      %add3A_126 = arith.addi %add3A_105, %add3A_125 : i32
      %lt3A_127 = arith.constant 32 : i32
      %lt3A_128 = arith.cmpi slt, %add3A_126, %lt3A_127 : i32
      %convert_element_type3A_129 = arith.extui %lt3A_128 : i1 to i32
      %cond3A_130 = arith.constant 0 : i32
      %cond3A_131 = arith.cmpi ne, %convert_element_type3A_129, %cond3A_130 : i32
      scf.if %cond3A_131 {
        %add3A_192 = arith.constant 4 : i32
        %add3A_193 = arith.addi %add3A_105, %add3A_192 : i32
        %mul3A_194 = arith.constant 8 : i32
        %mul3A_195 = arith.muli %add3A_193, %mul3A_194 : i32
        %add3A_196 = arith.addi %mul3A_2, %mul3A_195 : i32
        %dma_start3A_197 = arith.constant 1 : i32
        %dma_start3A_198 = arith.constant 0 : i32
        %dma_start3A_199 = arith.constant 0 : i32
        %dma_start3A_200 = tpu.memref_slice %arg5[%dma_start3A_197, %dma_start3A_198, %dma_start3A_199] : memref<4x8x2048xf32, #tpu.memory_space<vmem>> -> memref<1x8x2048xf32, #tpu.memory_space<vmem>>
        %dma_start3A_201 = tpu.memref_squeeze %dma_start3A_200 : memref<1x8x2048xf32, #tpu.memory_space<vmem>> -> memref<8x2048xf32, #tpu.memory_space<vmem>>
        %dma_start3A_202 = arith.constant 0 : i32
        %dma_start3A_203 = tpu.memref_slice %arg2[%add3A_196, %dma_start3A_202] : memref<8192x2048xf32, #tpu.memory_space<hbm>> -> memref<8x2048xf32, #tpu.memory_space<hbm>>
        %dma_start3A_204 = arith.constant 0 : i32
        %dma_start3A_205 = arith.constant 0 : i32
        %dma_start3A_206 = tpu.memref_slice %arg5[%dma_start3A_197, %dma_start3A_204, %dma_start3A_205] : memref<4x8x2048xf32, #tpu.memory_space<vmem>> -> memref<1x8x2048xf32, #tpu.memory_space<vmem>>
        %dma_start3A_207 = tpu.memref_squeeze %dma_start3A_206 : memref<1x8x2048xf32, #tpu.memory_space<vmem>> -> memref<8x2048xf32, #tpu.memory_space<vmem>>
        %dma_start3A_208 = arith.constant 0 : i32
        %dma_start3A_209 = tpu.memref_slice %arg2[%add3A_196, %dma_start3A_208] : memref<8192x2048xf32, #tpu.memory_space<hbm>> -> memref<8x2048xf32, #tpu.memory_space<hbm>>
        tpu.enqueue_dma source(%dma_start3A_209 : memref<8x2048xf32, #tpu.memory_space<hbm>>) target(%dma_start3A_207 : memref<8x2048xf32, #tpu.memory_space<vmem>>) target_semaphore(%arg7 : memref<!tpu.dma_semaphore, #tpu.memory_space<semaphore_mem>>)
      } else {
      }
      %mul3A_132 = arith.constant 4 : i32
      %mul3A_133 = arith.muli %mul3A_132, %scan3A_76 : i32
      %add3A_134 = arith.constant 2 : i32
      %add3A_135 = arith.addi %mul3A_133, %add3A_134 : i32
      %mul3A_136 = arith.constant 8 : i32
      %mul3A_137 = arith.muli %add3A_135, %mul3A_136 : i32
      %add3A_138 = arith.addi %mul3A_2, %mul3A_137 : i32
      %dma_wait3A_139 = arith.constant 2 : i32
      %dma_wait3A_140 = arith.constant 0 : i32
      %dma_wait3A_141 = arith.constant 0 : i32
      %dma_wait3A_142 = tpu.memref_slice %arg5[%dma_wait3A_139, %dma_wait3A_140, %dma_wait3A_141] : memref<4x8x2048xf32, #tpu.memory_space<vmem>> -> memref<1x8x2048xf32, #tpu.memory_space<vmem>>
      %dma_wait3A_143 = tpu.memref_squeeze %dma_wait3A_142 : memref<1x8x2048xf32, #tpu.memory_space<vmem>> -> memref<8x2048xf32, #tpu.memory_space<vmem>>
      %dma_wait3A_144 = arith.constant 0 : i32
      %dma_wait3A_145 = tpu.memref_slice %arg2[%add3A_138, %dma_wait3A_144] : memref<8192x2048xf32, #tpu.memory_space<hbm>> -> memref<8x2048xf32, #tpu.memory_space<hbm>>
      %dma_wait3A_146 = arith.constant 0 : i32
      %dma_wait3A_147 = arith.constant 0 : i32
      %dma_wait3A_148 = tpu.memref_slice %arg5[%dma_wait3A_139, %dma_wait3A_146, %dma_wait3A_147] : memref<4x8x2048xf32, #tpu.memory_space<vmem>> -> memref<1x8x2048xf32, #tpu.memory_space<vmem>>
      %dma_wait3A_149 = tpu.memref_squeeze %dma_wait3A_148 : memref<1x8x2048xf32, #tpu.memory_space<vmem>> -> memref<8x2048xf32, #tpu.memory_space<vmem>>
      %dma_wait3A_150 = arith.constant 0 : i32
      %dma_wait3A_151 = tpu.memref_slice %arg2[%add3A_138, %dma_wait3A_150] : memref<8192x2048xf32, #tpu.memory_space<hbm>> -> memref<8x2048xf32, #tpu.memory_space<hbm>>
      tpu.wait_dma2 semaphore(%arg8 : memref<!tpu.dma_semaphore, #tpu.memory_space<semaphore_mem>>) src(%dma_wait3A_151 : memref<8x2048xf32, #tpu.memory_space<hbm>>) dst(%dma_wait3A_149 : memref<8x2048xf32, #tpu.memory_space<vmem>>)
      %parallel_loop3A_152 = arith.constant 0 : i32
      %parallel_loop3A_153 = arith.constant 128 : i32
      %parallel_loop3A_154 = arith.constant 1 : i32
      scf.for %parallel_loop3A_192 = %parallel_loop3A_152 to %parallel_loop3A_153 step %parallel_loop3A_154  : i32 {
        %parallel_loop3A_193 = arith.constant 16 : i32
        %parallel_loop3A_194 = arith.muli %parallel_loop3A_192, %parallel_loop3A_193 : i32
        %parallel_loop3A_195 = arith.constant 2 : i32
        %parallel_loop3A_196 = arith.constant 0 : i32
        %parallel_loop3A_197 = arith.index_cast %parallel_loop3A_195 : i32 to index
        %parallel_loop3A_198 = arith.index_cast %parallel_loop3A_196 : i32 to index
        %parallel_loop3A_199 = arith.index_cast %parallel_loop3A_194 : i32 to index
        %parallel_loop3A_200 = tpu.vector_load %arg5[%parallel_loop3A_197, %parallel_loop3A_198, %parallel_loop3A_199] {strides = array<i32>} : memref<4x8x2048xf32, #tpu.memory_space<vmem>>, vector<16xf32>,
        %parallel_loop3A_201 = vector.bitcast %parallel_loop3A_200 : vector<16xf32> to vector<16xi32>
        %parallel_loop3A_202 = arith.constant 1 : i32
        %parallel_loop3A_203 = vector.broadcast %parallel_loop3A_202 : i32 to vector<16xi32>
        %parallel_loop3A_204 = arith.shli %parallel_loop3A_201, %parallel_loop3A_203 : vector<16xi32>
        %parallel_loop3A_205 = arith.constant 17 : i32
        %parallel_loop3A_206 = vector.broadcast %parallel_loop3A_205 : i32 to vector<16xi32>
        %parallel_loop3A_207 = arith.shrui %parallel_loop3A_204, %parallel_loop3A_206 : vector<16xi32>
        %parallel_loop3A_208 = vector.bitcast %parallel_loop3A_207 : vector<16xi32> to vector<16xi32>
        tpu.vector_store_idx %arg4[%parallel_loop3A_208], %broadcast_in_dim3A_3 {add = true} : memref<32768xi32, #tpu.memory_space<vmem>>[vector<16xi32>], vector<16xi32>,
        %parallel_loop3A_209 = arith.constant 16 : i32
        %parallel_loop3A_210 = arith.muli %parallel_loop3A_192, %parallel_loop3A_209 : i32
        %parallel_loop3A_211 = arith.constant 2 : i32
        %parallel_loop3A_212 = arith.constant 1 : i32
        %parallel_loop3A_213 = arith.index_cast %parallel_loop3A_211 : i32 to index
        %parallel_loop3A_214 = arith.index_cast %parallel_loop3A_212 : i32 to index
        %parallel_loop3A_215 = arith.index_cast %parallel_loop3A_210 : i32 to index
        %parallel_loop3A_216 = tpu.vector_load %arg5[%parallel_loop3A_213, %parallel_loop3A_214, %parallel_loop3A_215] {strides = array<i32>} : memref<4x8x2048xf32, #tpu.memory_space<vmem>>, vector<16xf32>,
        %parallel_loop3A_217 = vector.bitcast %parallel_loop3A_216 : vector<16xf32> to vector<16xi32>
        %parallel_loop3A_218 = arith.constant 1 : i32
        %parallel_loop3A_219 = vector.broadcast %parallel_loop3A_218 : i32 to vector<16xi32>
        %parallel_loop3A_220 = arith.shli %parallel_loop3A_217, %parallel_loop3A_219 : vector<16xi32>
        %parallel_loop3A_221 = arith.constant 17 : i32
        %parallel_loop3A_222 = vector.broadcast %parallel_loop3A_221 : i32 to vector<16xi32>
        %parallel_loop3A_223 = arith.shrui %parallel_loop3A_220, %parallel_loop3A_222 : vector<16xi32>
        %parallel_loop3A_224 = vector.bitcast %parallel_loop3A_223 : vector<16xi32> to vector<16xi32>
        tpu.vector_store_idx %arg4[%parallel_loop3A_224], %broadcast_in_dim3A_3 {add = true} : memref<32768xi32, #tpu.memory_space<vmem>>[vector<16xi32>], vector<16xi32>,
        %parallel_loop3A_225 = arith.constant 16 : i32
        %parallel_loop3A_226 = arith.muli %parallel_loop3A_192, %parallel_loop3A_225 : i32
        %parallel_loop3A_227 = arith.constant 2 : i32
        %parallel_loop3A_228 = arith.constant 2 : i32
        %parallel_loop3A_229 = arith.index_cast %parallel_loop3A_227 : i32 to index
        %parallel_loop3A_230 = arith.index_cast %parallel_loop3A_228 : i32 to index
        %parallel_loop3A_231 = arith.index_cast %parallel_loop3A_226 : i32 to index
        %parallel_loop3A_232 = tpu.vector_load %arg5[%parallel_loop3A_229, %parallel_loop3A_230, %parallel_loop3A_231] {strides = array<i32>} : memref<4x8x2048xf32, #tpu.memory_space<vmem>>, vector<16xf32>,
        %parallel_loop3A_233 = vector.bitcast %parallel_loop3A_232 : vector<16xf32> to vector<16xi32>
        %parallel_loop3A_234 = arith.constant 1 : i32
        %parallel_loop3A_235 = vector.broadcast %parallel_loop3A_234 : i32 to vector<16xi32>
        %parallel_loop3A_236 = arith.shli %parallel_loop3A_233, %parallel_loop3A_235 : vector<16xi32>
        %parallel_loop3A_237 = arith.constant 17 : i32
        %parallel_loop3A_238 = vector.broadcast %parallel_loop3A_237 : i32 to vector<16xi32>
        %parallel_loop3A_239 = arith.shrui %parallel_loop3A_236, %parallel_loop3A_238 : vector<16xi32>
        %parallel_loop3A_240 = vector.bitcast %parallel_loop3A_239 : vector<16xi32> to vector<16xi32>
        tpu.vector_store_idx %arg4[%parallel_loop3A_240], %broadcast_in_dim3A_3 {add = true} : memref<32768xi32, #tpu.memory_space<vmem>>[vector<16xi32>], vector<16xi32>,
        %parallel_loop3A_241 = arith.constant 16 : i32
        %parallel_loop3A_242 = arith.muli %parallel_loop3A_192, %parallel_loop3A_241 : i32
        %parallel_loop3A_243 = arith.constant 2 : i32
        %parallel_loop3A_244 = arith.constant 3 : i32
        %parallel_loop3A_245 = arith.index_cast %parallel_loop3A_243 : i32 to index
        %parallel_loop3A_246 = arith.index_cast %parallel_loop3A_244 : i32 to index
        %parallel_loop3A_247 = arith.index_cast %parallel_loop3A_242 : i32 to index
        %parallel_loop3A_248 = tpu.vector_load %arg5[%parallel_loop3A_245, %parallel_loop3A_246, %parallel_loop3A_247] {strides = array<i32>} : memref<4x8x2048xf32, #tpu.memory_space<vmem>>, vector<16xf32>,
        %parallel_loop3A_249 = vector.bitcast %parallel_loop3A_248 : vector<16xf32> to vector<16xi32>
        %parallel_loop3A_250 = arith.constant 1 : i32
        %parallel_loop3A_251 = vector.broadcast %parallel_loop3A_250 : i32 to vector<16xi32>
        %parallel_loop3A_252 = arith.shli %parallel_loop3A_249, %parallel_loop3A_251 : vector<16xi32>
        %parallel_loop3A_253 = arith.constant 17 : i32
        %parallel_loop3A_254 = vector.broadcast %parallel_loop3A_253 : i32 to vector<16xi32>
        %parallel_loop3A_255 = arith.shrui %parallel_loop3A_252, %parallel_loop3A_254 : vector<16xi32>
        %parallel_loop3A_256 = vector.bitcast %parallel_loop3A_255 : vector<16xi32> to vector<16xi32>
        tpu.vector_store_idx %arg4[%parallel_loop3A_256], %broadcast_in_dim3A_3 {add = true} : memref<32768xi32, #tpu.memory_space<vmem>>[vector<16xi32>], vector<16xi32>,
        %parallel_loop3A_257 = arith.constant 16 : i32
        %parallel_loop3A_258 = arith.muli %parallel_loop3A_192, %parallel_loop3A_257 : i32
        %parallel_loop3A_259 = arith.constant 2 : i32
        %parallel_loop3A_260 = arith.constant 4 : i32
        %parallel_loop3A_261 = arith.index_cast %parallel_loop3A_259 : i32 to index
        %parallel_loop3A_262 = arith.index_cast %parallel_loop3A_260 : i32 to index
        %parallel_loop3A_263 = arith.index_cast %parallel_loop3A_258 : i32 to index
        %parallel_loop3A_264 = tpu.vector_load %arg5[%parallel_loop3A_261, %parallel_loop3A_262, %parallel_loop3A_263] {strides = array<i32>} : memref<4x8x2048xf32, #tpu.memory_space<vmem>>, vector<16xf32>,
        %parallel_loop3A_265 = vector.bitcast %parallel_loop3A_264 : vector<16xf32> to vector<16xi32>
        %parallel_loop3A_266 = arith.constant 1 : i32
        %parallel_loop3A_267 = vector.broadcast %parallel_loop3A_266 : i32 to vector<16xi32>
        %parallel_loop3A_268 = arith.shli %parallel_loop3A_265, %parallel_loop3A_267 : vector<16xi32>
        %parallel_loop3A_269 = arith.constant 17 : i32
        %parallel_loop3A_270 = vector.broadcast %parallel_loop3A_269 : i32 to vector<16xi32>
        %parallel_loop3A_271 = arith.shrui %parallel_loop3A_268, %parallel_loop3A_270 : vector<16xi32>
        %parallel_loop3A_272 = vector.bitcast %parallel_loop3A_271 : vector<16xi32> to vector<16xi32>
        tpu.vector_store_idx %arg4[%parallel_loop3A_272], %broadcast_in_dim3A_3 {add = true} : memref<32768xi32, #tpu.memory_space<vmem>>[vector<16xi32>], vector<16xi32>,
        %parallel_loop3A_273 = arith.constant 16 : i32
        %parallel_loop3A_274 = arith.muli %parallel_loop3A_192, %parallel_loop3A_273 : i32
        %parallel_loop3A_275 = arith.constant 2 : i32
        %parallel_loop3A_276 = arith.constant 5 : i32
        %parallel_loop3A_277 = arith.index_cast %parallel_loop3A_275 : i32 to index
        %parallel_loop3A_278 = arith.index_cast %parallel_loop3A_276 : i32 to index
        %parallel_loop3A_279 = arith.index_cast %parallel_loop3A_274 : i32 to index
        %parallel_loop3A_280 = tpu.vector_load %arg5[%parallel_loop3A_277, %parallel_loop3A_278, %parallel_loop3A_279] {strides = array<i32>} : memref<4x8x2048xf32, #tpu.memory_space<vmem>>, vector<16xf32>,
        %parallel_loop3A_281 = vector.bitcast %parallel_loop3A_280 : vector<16xf32> to vector<16xi32>
        %parallel_loop3A_282 = arith.constant 1 : i32
        %parallel_loop3A_283 = vector.broadcast %parallel_loop3A_282 : i32 to vector<16xi32>
        %parallel_loop3A_284 = arith.shli %parallel_loop3A_281, %parallel_loop3A_283 : vector<16xi32>
        %parallel_loop3A_285 = arith.constant 17 : i32
        %parallel_loop3A_286 = vector.broadcast %parallel_loop3A_285 : i32 to vector<16xi32>
        %parallel_loop3A_287 = arith.shrui %parallel_loop3A_284, %parallel_loop3A_286 : vector<16xi32>
        %parallel_loop3A_288 = vector.bitcast %parallel_loop3A_287 : vector<16xi32> to vector<16xi32>
        tpu.vector_store_idx %arg4[%parallel_loop3A_288], %broadcast_in_dim3A_3 {add = true} : memref<32768xi32, #tpu.memory_space<vmem>>[vector<16xi32>], vector<16xi32>,
        %parallel_loop3A_289 = arith.constant 16 : i32
        %parallel_loop3A_290 = arith.muli %parallel_loop3A_192, %parallel_loop3A_289 : i32
        %parallel_loop3A_291 = arith.constant 2 : i32
        %parallel_loop3A_292 = arith.constant 6 : i32
        %parallel_loop3A_293 = arith.index_cast %parallel_loop3A_291 : i32 to index
        %parallel_loop3A_294 = arith.index_cast %parallel_loop3A_292 : i32 to index
        %parallel_loop3A_295 = arith.index_cast %parallel_loop3A_290 : i32 to index
        %parallel_loop3A_296 = tpu.vector_load %arg5[%parallel_loop3A_293, %parallel_loop3A_294, %parallel_loop3A_295] {strides = array<i32>} : memref<4x8x2048xf32, #tpu.memory_space<vmem>>, vector<16xf32>,
        %parallel_loop3A_297 = vector.bitcast %parallel_loop3A_296 : vector<16xf32> to vector<16xi32>
        %parallel_loop3A_298 = arith.constant 1 : i32
        %parallel_loop3A_299 = vector.broadcast %parallel_loop3A_298 : i32 to vector<16xi32>
        %parallel_loop3A_300 = arith.shli %parallel_loop3A_297, %parallel_loop3A_299 : vector<16xi32>
        %parallel_loop3A_301 = arith.constant 17 : i32
        %parallel_loop3A_302 = vector.broadcast %parallel_loop3A_301 : i32 to vector<16xi32>
        %parallel_loop3A_303 = arith.shrui %parallel_loop3A_300, %parallel_loop3A_302 : vector<16xi32>
        %parallel_loop3A_304 = vector.bitcast %parallel_loop3A_303 : vector<16xi32> to vector<16xi32>
        tpu.vector_store_idx %arg4[%parallel_loop3A_304], %broadcast_in_dim3A_3 {add = true} : memref<32768xi32, #tpu.memory_space<vmem>>[vector<16xi32>], vector<16xi32>,
        %parallel_loop3A_305 = arith.constant 16 : i32
        %parallel_loop3A_306 = arith.muli %parallel_loop3A_192, %parallel_loop3A_305 : i32
        %parallel_loop3A_307 = arith.constant 2 : i32
        %parallel_loop3A_308 = arith.constant 7 : i32
        %parallel_loop3A_309 = arith.index_cast %parallel_loop3A_307 : i32 to index
        %parallel_loop3A_310 = arith.index_cast %parallel_loop3A_308 : i32 to index
        %parallel_loop3A_311 = arith.index_cast %parallel_loop3A_306 : i32 to index
        %parallel_loop3A_312 = tpu.vector_load %arg5[%parallel_loop3A_309, %parallel_loop3A_310, %parallel_loop3A_311] {strides = array<i32>} : memref<4x8x2048xf32, #tpu.memory_space<vmem>>, vector<16xf32>,
        %parallel_loop3A_313 = vector.bitcast %parallel_loop3A_312 : vector<16xf32> to vector<16xi32>
        %parallel_loop3A_314 = arith.constant 1 : i32
        %parallel_loop3A_315 = vector.broadcast %parallel_loop3A_314 : i32 to vector<16xi32>
        %parallel_loop3A_316 = arith.shli %parallel_loop3A_313, %parallel_loop3A_315 : vector<16xi32>
        %parallel_loop3A_317 = arith.constant 17 : i32
        %parallel_loop3A_318 = vector.broadcast %parallel_loop3A_317 : i32 to vector<16xi32>
        %parallel_loop3A_319 = arith.shrui %parallel_loop3A_316, %parallel_loop3A_318 : vector<16xi32>
        %parallel_loop3A_320 = vector.bitcast %parallel_loop3A_319 : vector<16xi32> to vector<16xi32>
        tpu.vector_store_idx %arg4[%parallel_loop3A_320], %broadcast_in_dim3A_3 {add = true} : memref<32768xi32, #tpu.memory_space<vmem>>[vector<16xi32>], vector<16xi32>,
      } {sc.loop_unroll_factor = 1 : i64, sc.parallel_access}
      %add3A_155 = arith.constant 4 : i32
      %add3A_156 = arith.addi %add3A_135, %add3A_155 : i32
      %lt3A_157 = arith.constant 32 : i32
      %lt3A_158 = arith.cmpi slt, %add3A_156, %lt3A_157 : i32
      %convert_element_type3A_159 = arith.extui %lt3A_158 : i1 to i32
      %cond3A_160 = arith.constant 0 : i32
      %cond3A_161 = arith.cmpi ne, %convert_element_type3A_159, %cond3A_160 : i32
      scf.if %cond3A_161 {
        %add3A_192 = arith.constant 4 : i32
        %add3A_193 = arith.addi %add3A_135, %add3A_192 : i32
        %mul3A_194 = arith.constant 8 : i32
        %mul3A_195 = arith.muli %add3A_193, %mul3A_194 : i32
        %add3A_196 = arith.addi %mul3A_2, %mul3A_195 : i32
        %dma_start3A_197 = arith.constant 2 : i32
        %dma_start3A_198 = arith.constant 0 : i32
        %dma_start3A_199 = arith.constant 0 : i32
        %dma_start3A_200 = tpu.memref_slice %arg5[%dma_start3A_197, %dma_start3A_198, %dma_start3A_199] : memref<4x8x2048xf32, #tpu.memory_space<vmem>> -> memref<1x8x2048xf32, #tpu.memory_space<vmem>>
        %dma_start3A_201 = tpu.memref_squeeze %dma_start3A_200 : memref<1x8x2048xf32, #tpu.memory_space<vmem>> -> memref<8x2048xf32, #tpu.memory_space<vmem>>
        %dma_start3A_202 = arith.constant 0 : i32
        %dma_start3A_203 = tpu.memref_slice %arg2[%add3A_196, %dma_start3A_202] : memref<8192x2048xf32, #tpu.memory_space<hbm>> -> memref<8x2048xf32, #tpu.memory_space<hbm>>
        %dma_start3A_204 = arith.constant 0 : i32
        %dma_start3A_205 = arith.constant 0 : i32
        %dma_start3A_206 = tpu.memref_slice %arg5[%dma_start3A_197, %dma_start3A_204, %dma_start3A_205] : memref<4x8x2048xf32, #tpu.memory_space<vmem>> -> memref<1x8x2048xf32, #tpu.memory_space<vmem>>
        %dma_start3A_207 = tpu.memref_squeeze %dma_start3A_206 : memref<1x8x2048xf32, #tpu.memory_space<vmem>> -> memref<8x2048xf32, #tpu.memory_space<vmem>>
        %dma_start3A_208 = arith.constant 0 : i32
        %dma_start3A_209 = tpu.memref_slice %arg2[%add3A_196, %dma_start3A_208] : memref<8192x2048xf32, #tpu.memory_space<hbm>> -> memref<8x2048xf32, #tpu.memory_space<hbm>>
        tpu.enqueue_dma source(%dma_start3A_209 : memref<8x2048xf32, #tpu.memory_space<hbm>>) target(%dma_start3A_207 : memref<8x2048xf32, #tpu.memory_space<vmem>>) target_semaphore(%arg8 : memref<!tpu.dma_semaphore, #tpu.memory_space<semaphore_mem>>)
      } else {
      }
      %mul3A_162 = arith.constant 4 : i32
      %mul3A_163 = arith.muli %mul3A_162, %scan3A_76 : i32
      %add3A_164 = arith.constant 3 : i32
      %add3A_165 = arith.addi %mul3A_163, %add3A_164 : i32
      %mul3A_166 = arith.constant 8 : i32
      %mul3A_167 = arith.muli %add3A_165, %mul3A_166 : i32
      %add3A_168 = arith.addi %mul3A_2, %mul3A_167 : i32
      %dma_wait3A_169 = arith.constant 3 : i32
      %dma_wait3A_170 = arith.constant 0 : i32
      %dma_wait3A_171 = arith.constant 0 : i32
      %dma_wait3A_172 = tpu.memref_slice %arg5[%dma_wait3A_169, %dma_wait3A_170, %dma_wait3A_171] : memref<4x8x2048xf32, #tpu.memory_space<vmem>> -> memref<1x8x2048xf32, #tpu.memory_space<vmem>>
      %dma_wait3A_173 = tpu.memref_squeeze %dma_wait3A_172 : memref<1x8x2048xf32, #tpu.memory_space<vmem>> -> memref<8x2048xf32, #tpu.memory_space<vmem>>
      %dma_wait3A_174 = arith.constant 0 : i32
      %dma_wait3A_175 = tpu.memref_slice %arg2[%add3A_168, %dma_wait3A_174] : memref<8192x2048xf32, #tpu.memory_space<hbm>> -> memref<8x2048xf32, #tpu.memory_space<hbm>>
      %dma_wait3A_176 = arith.constant 0 : i32
      %dma_wait3A_177 = arith.constant 0 : i32
      %dma_wait3A_178 = tpu.memref_slice %arg5[%dma_wait3A_169, %dma_wait3A_176, %dma_wait3A_177] : memref<4x8x2048xf32, #tpu.memory_space<vmem>> -> memref<1x8x2048xf32, #tpu.memory_space<vmem>>
      %dma_wait3A_179 = tpu.memref_squeeze %dma_wait3A_178 : memref<1x8x2048xf32, #tpu.memory_space<vmem>> -> memref<8x2048xf32, #tpu.memory_space<vmem>>
      %dma_wait3A_180 = arith.constant 0 : i32
      %dma_wait3A_181 = tpu.memref_slice %arg2[%add3A_168, %dma_wait3A_180] : memref<8192x2048xf32, #tpu.memory_space<hbm>> -> memref<8x2048xf32, #tpu.memory_space<hbm>>
      tpu.wait_dma2 semaphore(%arg9 : memref<!tpu.dma_semaphore, #tpu.memory_space<semaphore_mem>>) src(%dma_wait3A_181 : memref<8x2048xf32, #tpu.memory_space<hbm>>) dst(%dma_wait3A_179 : memref<8x2048xf32, #tpu.memory_space<vmem>>)
      %parallel_loop3A_182 = arith.constant 0 : i32
      %parallel_loop3A_183 = arith.constant 128 : i32
      %parallel_loop3A_184 = arith.constant 1 : i32
      scf.for %parallel_loop3A_192 = %parallel_loop3A_182 to %parallel_loop3A_183 step %parallel_loop3A_184  : i32 {
        %parallel_loop3A_193 = arith.constant 16 : i32
        %parallel_loop3A_194 = arith.muli %parallel_loop3A_192, %parallel_loop3A_193 : i32
        %parallel_loop3A_195 = arith.constant 3 : i32
        %parallel_loop3A_196 = arith.constant 0 : i32
        %parallel_loop3A_197 = arith.index_cast %parallel_loop3A_195 : i32 to index
        %parallel_loop3A_198 = arith.index_cast %parallel_loop3A_196 : i32 to index
        %parallel_loop3A_199 = arith.index_cast %parallel_loop3A_194 : i32 to index
        %parallel_loop3A_200 = tpu.vector_load %arg5[%parallel_loop3A_197, %parallel_loop3A_198, %parallel_loop3A_199] {strides = array<i32>} : memref<4x8x2048xf32, #tpu.memory_space<vmem>>, vector<16xf32>,
        %parallel_loop3A_201 = vector.bitcast %parallel_loop3A_200 : vector<16xf32> to vector<16xi32>
        %parallel_loop3A_202 = arith.constant 1 : i32
        %parallel_loop3A_203 = vector.broadcast %parallel_loop3A_202 : i32 to vector<16xi32>
        %parallel_loop3A_204 = arith.shli %parallel_loop3A_201, %parallel_loop3A_203 : vector<16xi32>
        %parallel_loop3A_205 = arith.constant 17 : i32
        %parallel_loop3A_206 = vector.broadcast %parallel_loop3A_205 : i32 to vector<16xi32>
        %parallel_loop3A_207 = arith.shrui %parallel_loop3A_204, %parallel_loop3A_206 : vector<16xi32>
        %parallel_loop3A_208 = vector.bitcast %parallel_loop3A_207 : vector<16xi32> to vector<16xi32>
        tpu.vector_store_idx %arg4[%parallel_loop3A_208], %broadcast_in_dim3A_3 {add = true} : memref<32768xi32, #tpu.memory_space<vmem>>[vector<16xi32>], vector<16xi32>,
        %parallel_loop3A_209 = arith.constant 16 : i32
        %parallel_loop3A_210 = arith.muli %parallel_loop3A_192, %parallel_loop3A_209 : i32
        %parallel_loop3A_211 = arith.constant 3 : i32
        %parallel_loop3A_212 = arith.constant 1 : i32
        %parallel_loop3A_213 = arith.index_cast %parallel_loop3A_211 : i32 to index
        %parallel_loop3A_214 = arith.index_cast %parallel_loop3A_212 : i32 to index
        %parallel_loop3A_215 = arith.index_cast %parallel_loop3A_210 : i32 to index
        %parallel_loop3A_216 = tpu.vector_load %arg5[%parallel_loop3A_213, %parallel_loop3A_214, %parallel_loop3A_215] {strides = array<i32>} : memref<4x8x2048xf32, #tpu.memory_space<vmem>>, vector<16xf32>,
        %parallel_loop3A_217 = vector.bitcast %parallel_loop3A_216 : vector<16xf32> to vector<16xi32>
        %parallel_loop3A_218 = arith.constant 1 : i32
        %parallel_loop3A_219 = vector.broadcast %parallel_loop3A_218 : i32 to vector<16xi32>
        %parallel_loop3A_220 = arith.shli %parallel_loop3A_217, %parallel_loop3A_219 : vector<16xi32>
        %parallel_loop3A_221 = arith.constant 17 : i32
        %parallel_loop3A_222 = vector.broadcast %parallel_loop3A_221 : i32 to vector<16xi32>
        %parallel_loop3A_223 = arith.shrui %parallel_loop3A_220, %parallel_loop3A_222 : vector<16xi32>
        %parallel_loop3A_224 = vector.bitcast %parallel_loop3A_223 : vector<16xi32> to vector<16xi32>
        tpu.vector_store_idx %arg4[%parallel_loop3A_224], %broadcast_in_dim3A_3 {add = true} : memref<32768xi32, #tpu.memory_space<vmem>>[vector<16xi32>], vector<16xi32>,
        %parallel_loop3A_225 = arith.constant 16 : i32
        %parallel_loop3A_226 = arith.muli %parallel_loop3A_192, %parallel_loop3A_225 : i32
        %parallel_loop3A_227 = arith.constant 3 : i32
        %parallel_loop3A_228 = arith.constant 2 : i32
        %parallel_loop3A_229 = arith.index_cast %parallel_loop3A_227 : i32 to index
        %parallel_loop3A_230 = arith.index_cast %parallel_loop3A_228 : i32 to index
        %parallel_loop3A_231 = arith.index_cast %parallel_loop3A_226 : i32 to index
        %parallel_loop3A_232 = tpu.vector_load %arg5[%parallel_loop3A_229, %parallel_loop3A_230, %parallel_loop3A_231] {strides = array<i32>} : memref<4x8x2048xf32, #tpu.memory_space<vmem>>, vector<16xf32>,
        %parallel_loop3A_233 = vector.bitcast %parallel_loop3A_232 : vector<16xf32> to vector<16xi32>
        %parallel_loop3A_234 = arith.constant 1 : i32
        %parallel_loop3A_235 = vector.broadcast %parallel_loop3A_234 : i32 to vector<16xi32>
        %parallel_loop3A_236 = arith.shli %parallel_loop3A_233, %parallel_loop3A_235 : vector<16xi32>
        %parallel_loop3A_237 = arith.constant 17 : i32
        %parallel_loop3A_238 = vector.broadcast %parallel_loop3A_237 : i32 to vector<16xi32>
        %parallel_loop3A_239 = arith.shrui %parallel_loop3A_236, %parallel_loop3A_238 : vector<16xi32>
        %parallel_loop3A_240 = vector.bitcast %parallel_loop3A_239 : vector<16xi32> to vector<16xi32>
        tpu.vector_store_idx %arg4[%parallel_loop3A_240], %broadcast_in_dim3A_3 {add = true} : memref<32768xi32, #tpu.memory_space<vmem>>[vector<16xi32>], vector<16xi32>,
        %parallel_loop3A_241 = arith.constant 16 : i32
        %parallel_loop3A_242 = arith.muli %parallel_loop3A_192, %parallel_loop3A_241 : i32
        %parallel_loop3A_243 = arith.constant 3 : i32
        %parallel_loop3A_244 = arith.constant 3 : i32
        %parallel_loop3A_245 = arith.index_cast %parallel_loop3A_243 : i32 to index
        %parallel_loop3A_246 = arith.index_cast %parallel_loop3A_244 : i32 to index
        %parallel_loop3A_247 = arith.index_cast %parallel_loop3A_242 : i32 to index
        %parallel_loop3A_248 = tpu.vector_load %arg5[%parallel_loop3A_245, %parallel_loop3A_246, %parallel_loop3A_247] {strides = array<i32>} : memref<4x8x2048xf32, #tpu.memory_space<vmem>>, vector<16xf32>,
        %parallel_loop3A_249 = vector.bitcast %parallel_loop3A_248 : vector<16xf32> to vector<16xi32>
        %parallel_loop3A_250 = arith.constant 1 : i32
        %parallel_loop3A_251 = vector.broadcast %parallel_loop3A_250 : i32 to vector<16xi32>
        %parallel_loop3A_252 = arith.shli %parallel_loop3A_249, %parallel_loop3A_251 : vector<16xi32>
        %parallel_loop3A_253 = arith.constant 17 : i32
        %parallel_loop3A_254 = vector.broadcast %parallel_loop3A_253 : i32 to vector<16xi32>
        %parallel_loop3A_255 = arith.shrui %parallel_loop3A_252, %parallel_loop3A_254 : vector<16xi32>
        %parallel_loop3A_256 = vector.bitcast %parallel_loop3A_255 : vector<16xi32> to vector<16xi32>
        tpu.vector_store_idx %arg4[%parallel_loop3A_256], %broadcast_in_dim3A_3 {add = true} : memref<32768xi32, #tpu.memory_space<vmem>>[vector<16xi32>], vector<16xi32>,
        %parallel_loop3A_257 = arith.constant 16 : i32
        %parallel_loop3A_258 = arith.muli %parallel_loop3A_192, %parallel_loop3A_257 : i32
        %parallel_loop3A_259 = arith.constant 3 : i32
        %parallel_loop3A_260 = arith.constant 4 : i32
        %parallel_loop3A_261 = arith.index_cast %parallel_loop3A_259 : i32 to index
        %parallel_loop3A_262 = arith.index_cast %parallel_loop3A_260 : i32 to index
        %parallel_loop3A_263 = arith.index_cast %parallel_loop3A_258 : i32 to index
        %parallel_loop3A_264 = tpu.vector_load %arg5[%parallel_loop3A_261, %parallel_loop3A_262, %parallel_loop3A_263] {strides = array<i32>} : memref<4x8x2048xf32, #tpu.memory_space<vmem>>, vector<16xf32>,
        %parallel_loop3A_265 = vector.bitcast %parallel_loop3A_264 : vector<16xf32> to vector<16xi32>
        %parallel_loop3A_266 = arith.constant 1 : i32
        %parallel_loop3A_267 = vector.broadcast %parallel_loop3A_266 : i32 to vector<16xi32>
        %parallel_loop3A_268 = arith.shli %parallel_loop3A_265, %parallel_loop3A_267 : vector<16xi32>
        %parallel_loop3A_269 = arith.constant 17 : i32
        %parallel_loop3A_270 = vector.broadcast %parallel_loop3A_269 : i32 to vector<16xi32>
        %parallel_loop3A_271 = arith.shrui %parallel_loop3A_268, %parallel_loop3A_270 : vector<16xi32>
        %parallel_loop3A_272 = vector.bitcast %parallel_loop3A_271 : vector<16xi32> to vector<16xi32>
        tpu.vector_store_idx %arg4[%parallel_loop3A_272], %broadcast_in_dim3A_3 {add = true} : memref<32768xi32, #tpu.memory_space<vmem>>[vector<16xi32>], vector<16xi32>,
        %parallel_loop3A_273 = arith.constant 16 : i32
        %parallel_loop3A_274 = arith.muli %parallel_loop3A_192, %parallel_loop3A_273 : i32
        %parallel_loop3A_275 = arith.constant 3 : i32
        %parallel_loop3A_276 = arith.constant 5 : i32
        %parallel_loop3A_277 = arith.index_cast %parallel_loop3A_275 : i32 to index
        %parallel_loop3A_278 = arith.index_cast %parallel_loop3A_276 : i32 to index
        %parallel_loop3A_279 = arith.index_cast %parallel_loop3A_274 : i32 to index
        %parallel_loop3A_280 = tpu.vector_load %arg5[%parallel_loop3A_277, %parallel_loop3A_278, %parallel_loop3A_279] {strides = array<i32>} : memref<4x8x2048xf32, #tpu.memory_space<vmem>>, vector<16xf32>,
        %parallel_loop3A_281 = vector.bitcast %parallel_loop3A_280 : vector<16xf32> to vector<16xi32>
        %parallel_loop3A_282 = arith.constant 1 : i32
        %parallel_loop3A_283 = vector.broadcast %parallel_loop3A_282 : i32 to vector<16xi32>
        %parallel_loop3A_284 = arith.shli %parallel_loop3A_281, %parallel_loop3A_283 : vector<16xi32>
        %parallel_loop3A_285 = arith.constant 17 : i32
        %parallel_loop3A_286 = vector.broadcast %parallel_loop3A_285 : i32 to vector<16xi32>
        %parallel_loop3A_287 = arith.shrui %parallel_loop3A_284, %parallel_loop3A_286 : vector<16xi32>
        %parallel_loop3A_288 = vector.bitcast %parallel_loop3A_287 : vector<16xi32> to vector<16xi32>
        tpu.vector_store_idx %arg4[%parallel_loop3A_288], %broadcast_in_dim3A_3 {add = true} : memref<32768xi32, #tpu.memory_space<vmem>>[vector<16xi32>], vector<16xi32>,
        %parallel_loop3A_289 = arith.constant 16 : i32
        %parallel_loop3A_290 = arith.muli %parallel_loop3A_192, %parallel_loop3A_289 : i32
        %parallel_loop3A_291 = arith.constant 3 : i32
        %parallel_loop3A_292 = arith.constant 6 : i32
        %parallel_loop3A_293 = arith.index_cast %parallel_loop3A_291 : i32 to index
        %parallel_loop3A_294 = arith.index_cast %parallel_loop3A_292 : i32 to index
        %parallel_loop3A_295 = arith.index_cast %parallel_loop3A_290 : i32 to index
        %parallel_loop3A_296 = tpu.vector_load %arg5[%parallel_loop3A_293, %parallel_loop3A_294, %parallel_loop3A_295] {strides = array<i32>} : memref<4x8x2048xf32, #tpu.memory_space<vmem>>, vector<16xf32>,
        %parallel_loop3A_297 = vector.bitcast %parallel_loop3A_296 : vector<16xf32> to vector<16xi32>
        %parallel_loop3A_298 = arith.constant 1 : i32
        %parallel_loop3A_299 = vector.broadcast %parallel_loop3A_298 : i32 to vector<16xi32>
        %parallel_loop3A_300 = arith.shli %parallel_loop3A_297, %parallel_loop3A_299 : vector<16xi32>
        %parallel_loop3A_301 = arith.constant 17 : i32
        %parallel_loop3A_302 = vector.broadcast %parallel_loop3A_301 : i32 to vector<16xi32>
        %parallel_loop3A_303 = arith.shrui %parallel_loop3A_300, %parallel_loop3A_302 : vector<16xi32>
        %parallel_loop3A_304 = vector.bitcast %parallel_loop3A_303 : vector<16xi32> to vector<16xi32>
        tpu.vector_store_idx %arg4[%parallel_loop3A_304], %broadcast_in_dim3A_3 {add = true} : memref<32768xi32, #tpu.memory_space<vmem>>[vector<16xi32>], vector<16xi32>,
        %parallel_loop3A_305 = arith.constant 16 : i32
        %parallel_loop3A_306 = arith.muli %parallel_loop3A_192, %parallel_loop3A_305 : i32
        %parallel_loop3A_307 = arith.constant 3 : i32
        %parallel_loop3A_308 = arith.constant 7 : i32
        %parallel_loop3A_309 = arith.index_cast %parallel_loop3A_307 : i32 to index
        %parallel_loop3A_310 = arith.index_cast %parallel_loop3A_308 : i32 to index
        %parallel_loop3A_311 = arith.index_cast %parallel_loop3A_306 : i32 to index
        %parallel_loop3A_312 = tpu.vector_load %arg5[%parallel_loop3A_309, %parallel_loop3A_310, %parallel_loop3A_311] {strides = array<i32>} : memref<4x8x2048xf32, #tpu.memory_space<vmem>>, vector<16xf32>,
        %parallel_loop3A_313 = vector.bitcast %parallel_loop3A_312 : vector<16xf32> to vector<16xi32>
        %parallel_loop3A_314 = arith.constant 1 : i32
        %parallel_loop3A_315 = vector.broadcast %parallel_loop3A_314 : i32 to vector<16xi32>
        %parallel_loop3A_316 = arith.shli %parallel_loop3A_313, %parallel_loop3A_315 : vector<16xi32>
        %parallel_loop3A_317 = arith.constant 17 : i32
        %parallel_loop3A_318 = vector.broadcast %parallel_loop3A_317 : i32 to vector<16xi32>
        %parallel_loop3A_319 = arith.shrui %parallel_loop3A_316, %parallel_loop3A_318 : vector<16xi32>
        %parallel_loop3A_320 = vector.bitcast %parallel_loop3A_319 : vector<16xi32> to vector<16xi32>
        tpu.vector_store_idx %arg4[%parallel_loop3A_320], %broadcast_in_dim3A_3 {add = true} : memref<32768xi32, #tpu.memory_space<vmem>>[vector<16xi32>], vector<16xi32>,
      } {sc.loop_unroll_factor = 1 : i64, sc.parallel_access}
      %add3A_185 = arith.constant 4 : i32
      %add3A_186 = arith.addi %add3A_165, %add3A_185 : i32
      %lt3A_187 = arith.constant 32 : i32
      %lt3A_188 = arith.cmpi slt, %add3A_186, %lt3A_187 : i32
      %convert_element_type3A_189 = arith.extui %lt3A_188 : i1 to i32
      %cond3A_190 = arith.constant 0 : i32
      %cond3A_191 = arith.cmpi ne, %convert_element_type3A_189, %cond3A_190 : i32
      scf.if %cond3A_191 {
        %add3A_192 = arith.constant 4 : i32
        %add3A_193 = arith.addi %add3A_165, %add3A_192 : i32
        %mul3A_194 = arith.constant 8 : i32
        %mul3A_195 = arith.muli %add3A_193, %mul3A_194 : i32
        %add3A_196 = arith.addi %mul3A_2, %mul3A_195 : i32
        %dma_start3A_197 = arith.constant 3 : i32
        %dma_start3A_198 = arith.constant 0 : i32
        %dma_start3A_199 = arith.constant 0 : i32
        %dma_start3A_200 = tpu.memref_slice %arg5[%dma_start3A_197, %dma_start3A_198, %dma_start3A_199] : memref<4x8x2048xf32, #tpu.memory_space<vmem>> -> memref<1x8x2048xf32, #tpu.memory_space<vmem>>
        %dma_start3A_201 = tpu.memref_squeeze %dma_start3A_200 : memref<1x8x2048xf32, #tpu.memory_space<vmem>> -> memref<8x2048xf32, #tpu.memory_space<vmem>>
        %dma_start3A_202 = arith.constant 0 : i32
        %dma_start3A_203 = tpu.memref_slice %arg2[%add3A_196, %dma_start3A_202] : memref<8192x2048xf32, #tpu.memory_space<hbm>> -> memref<8x2048xf32, #tpu.memory_space<hbm>>
        %dma_start3A_204 = arith.constant 0 : i32
        %dma_start3A_205 = arith.constant 0 : i32
        %dma_start3A_206 = tpu.memref_slice %arg5[%dma_start3A_197, %dma_start3A_204, %dma_start3A_205] : memref<4x8x2048xf32, #tpu.memory_space<vmem>> -> memref<1x8x2048xf32, #tpu.memory_space<vmem>>
        %dma_start3A_207 = tpu.memref_squeeze %dma_start3A_206 : memref<1x8x2048xf32, #tpu.memory_space<vmem>> -> memref<8x2048xf32, #tpu.memory_space<vmem>>
        %dma_start3A_208 = arith.constant 0 : i32
        %dma_start3A_209 = tpu.memref_slice %arg2[%add3A_196, %dma_start3A_208] : memref<8192x2048xf32, #tpu.memory_space<hbm>> -> memref<8x2048xf32, #tpu.memory_space<hbm>>
        tpu.enqueue_dma source(%dma_start3A_209 : memref<8x2048xf32, #tpu.memory_space<hbm>>) target(%dma_start3A_207 : memref<8x2048xf32, #tpu.memory_space<vmem>>) target_semaphore(%arg9 : memref<!tpu.dma_semaphore, #tpu.memory_space<semaphore_mem>>)
      } else {
      }
    }
    %scan3A_73 = arith.constant 8 : i32
    %mul3A_74 = arith.constant 32768 : i32
    %mul3A_75 = arith.muli %add3A, %mul3A_74 : i32
    "tpu.region"() ({
      %run_scoped3A = tpu.sem_alloc : memref<!tpu.dma_semaphore, #tpu.memory_space<semaphore_mem>>
      %dma_start3A_76 = tpu.memref_slice %arg3[%mul3A_75] : memref<1048576xi32, #tpu.memory_space<hbm>> -> memref<32768xi32, #tpu.memory_space<hbm>>
      %dma_start3A_77 = tpu.memref_slice %arg3[%mul3A_75] : memref<1048576xi32, #tpu.memory_space<hbm>> -> memref<32768xi32, #tpu.memory_space<hbm>>
      tpu.enqueue_dma source(%arg4 : memref<32768xi32, #tpu.memory_space<vmem>>) target(%dma_start3A_77 : memref<32768xi32, #tpu.memory_space<hbm>>) target_semaphore(%run_scoped3A : memref<!tpu.dma_semaphore, #tpu.memory_space<semaphore_mem>>)
      %dma_wait3A = tpu.memref_slice %arg3[%mul3A_75] : memref<1048576xi32, #tpu.memory_space<hbm>> -> memref<32768xi32, #tpu.memory_space<hbm>>
      %dma_wait3A_78 = tpu.memref_slice %arg3[%mul3A_75] : memref<1048576xi32, #tpu.memory_space<hbm>> -> memref<32768xi32, #tpu.memory_space<hbm>>
      tpu.wait_dma2 semaphore(%run_scoped3A : memref<!tpu.dma_semaphore, #tpu.memory_space<semaphore_mem>>) src(%arg4 : memref<32768xi32, #tpu.memory_space<vmem>>) dst(%dma_wait3A_78 : memref<32768xi32, #tpu.memory_space<hbm>>)
      tpu.yield
    }) : () -> ()
    return
  }
}

module attributes {stable_mosaic.version = 14 : i64} {
  func.func @body(%arg0: memref<32x32768xi32, #tpu.memory_space<vmem>>, %arg1: memref<8x128xf32, #tpu.memory_space<vmem>>, %arg2: memref<8x128xf32, #tpu.memory_space<vmem>>) attributes {dimension_semantics = [], scalar_prefetch = 0 : i64, scratch_operands = 0 : i64, tpu.core_type = #tpu.core_type<tc>} {
    %get3A = arith.constant 0 : index
    %get3A_0 = arith.constant 0 : index
    %get3A_1 = vector.load %arg0[%get3A, %get3A_0] : memref<32x32768xi32, #tpu.memory_space<vmem>>, vector<32x32768xi32>
    %convert_element_type3A = arith.sitofp %get3A_1 : vector<32x32768xi32> to vector<32x32768xf32>
    %reduce_sum3A = arith.constant dense<0.000000e+00> : vector<32768xf32>
    %reduce_sum3A_2 = vector.multi_reduction <add>, %convert_element_type3A, %reduce_sum3A [0] : vector<32x32768xf32> to vector<32768xf32>
    %reshape3A = vector.shape_cast %reduce_sum3A_2 : vector<32768xf32> to vector<256x128xf32>
    %iota3A = tpu.iota {dimensions = array<i32: 0>} : vector<128x128xi32>
    %iota3A_3 = tpu.iota {dimensions = array<i32: 1>} : vector<128x128xi32>
    %ge3A = arith.cmpi sge, %iota3A, %iota3A_3 : vector<128x128xi32>
    %convert_element_type3A_4 = arith.extui %ge3A : vector<128x128xi1> to vector<128x128xi32>
    %convert_element_type3A_5 = arith.sitofp %convert_element_type3A_4 : vector<128x128xi32> to vector<128x128xf32>
    %dot_general3A = arith.constant dense<0.000000e+00> : vector<256x128xf32>
    %dot_general3A_6 = tpu.matmul %reshape3A, %convert_element_type3A_5, %dot_general3A {dimension_numbers = #tpu.dot_dimension_numbers<[1], [0], [0], [1], [0, 0, 1, 1], [], []>, precision = #tpu.contract_precision<fp32>, transpose_lhs_hint = false} : vector<256x128xf32>, vector<128x128xf32>, vector<256x128xf32> -> vector<256x128xf32>
    %iota3A_7 = tpu.iota {dimensions = array<i32: 0>} : vector<256x256xi32>
    %iota3A_8 = tpu.iota {dimensions = array<i32: 1>} : vector<256x256xi32>
    %gt3A = arith.cmpi sgt, %iota3A_8, %iota3A_7 : vector<256x256xi32>
    %convert_element_type3A_9 = arith.extui %gt3A : vector<256x256xi1> to vector<256x256xi32>
    %convert_element_type3A_10 = arith.sitofp %convert_element_type3A_9 : vector<256x256xi32> to vector<256x256xf32>
    %reduce_sum3A_11 = arith.constant dense<0.000000e+00> : vector<256xf32>
    %reduce_sum3A_12 = vector.multi_reduction <add>, %reshape3A, %reduce_sum3A_11 [1] : vector<256x128xf32> to vector<256xf32>
    %broadcast_in_dim3A = vector.shape_cast %reduce_sum3A_12 : vector<256xf32> to vector<256x1xf32>
    %dot_general3A_13 = arith.constant dense<0.000000e+00> : vector<256x1xf32>
    %dot_general3A_14 = tpu.matmul %convert_element_type3A_10, %broadcast_in_dim3A, %dot_general3A_13 {dimension_numbers = #tpu.dot_dimension_numbers<[1], [0], [0], [1], [0, 0, 1, 1], [], []>, precision = #tpu.contract_precision<fp32>, transpose_lhs_hint = false} : vector<256x256xf32>, vector<256x1xf32>, vector<256x1xf32> -> vector<256x1xf32>
    %add3A = vector.broadcast %dot_general3A_14 : vector<256x1xf32> to vector<256x128xf32>
    %add3A_15 = arith.addf %dot_general3A_6, %add3A : vector<256x128xf32>
    %iota3A_16 = tpu.iota {dimensions = array<i32: 0>} : vector<256x128xi32>
    %mul3A = arith.constant 128 : i32
    %mul3A_17 = vector.broadcast %mul3A : i32 to vector<256x128xi32>
    %mul3A_18 = arith.muli %iota3A_16, %mul3A_17 : vector<256x128xi32>
    %iota3A_19 = tpu.iota {dimensions = array<i32: 1>} : vector<256x128xi32>
    %add3A_20 = arith.addi %mul3A_18, %iota3A_19 : vector<256x128xi32>
    %ge3A_21 = arith.constant 1.679000e+03 : f32
    %ge3A_22 = vector.broadcast %ge3A_21 : f32 to vector<256x128xf32>
    %ge3A_23 = arith.cmpf oge, %add3A_15, %ge3A_22 : vector<256x128xf32>
    %jit3A = arith.constant -1 : i32
    %broadcast_in_dim3A_24 = vector.broadcast %jit3A : i32 to vector<256x128xi32>
    %select_n3A = arith.select %ge3A_23, %add3A_20, %broadcast_in_dim3A_24 : vector<256x128xi1>, vector<256x128xi32>
    %reduce_max3A = vector.shape_cast %select_n3A : vector<256x128xi32> to vector<1x256x128xi32>
    %reduce_max3A_25 = arith.constant dense<-2147483648> : vector<1xi32>
    %reduce_max3A_26 = vector.multi_reduction <maxsi>, %reduce_max3A, %reduce_max3A_25 [1, 2] : vector<1x256x128xi32> to vector<1xi32>
    %reduce_max3A_27 = vector.shape_cast %reduce_max3A_26 : vector<1xi32> to vector<1x1x1xi32>
    %reduce_max3A_28 = vector.extract %reduce_max3A_27[0, 0, 0] : i32 from vector<1x1x1xi32>
    %shift_left3A = arith.constant 16 : i32
    %shift_left3A_29 = arith.shli %reduce_max3A_28, %shift_left3A : i32
    %or3A = arith.constant 32768 : i32
    %or3A_30 = arith.ori %shift_left3A_29, %or3A : i32
    %bitcast_convert_type3A = arith.bitcast %or3A_30 : i32 to f32
    %get3A_31 = arith.constant 0 : index
    %get3A_32 = arith.constant 0 : index
    %get3A_33 = vector.load %arg1[%get3A_31, %get3A_32] : memref<8x128xf32, #tpu.memory_space<vmem>>, vector<8x128xf32>
    %reduce_min3A = vector.shape_cast %get3A_33 : vector<8x128xf32> to vector<1x8x128xf32>
    %reduce_min3A_34 = arith.constant dense<0x7F800000> : vector<1xf32>
    %reduce_min3A_35 = vector.multi_reduction <minimumf>, %reduce_min3A, %reduce_min3A_34 [1, 2] : vector<1x8x128xf32> to vector<1xf32>
    %reduce_min3A_36 = vector.shape_cast %reduce_min3A_35 : vector<1xf32> to vector<1x1x1xf32>
    %reduce_min3A_37 = vector.extract %reduce_min3A_36[0, 0, 0] : f32 from vector<1x1x1xf32>
    %iota3A_38 = tpu.iota {dimensions = array<i32: 0>} : vector<8x128xi32>
    %iota3A_39 = tpu.iota {dimensions = array<i32: 1>} : vector<8x128xi32>
    %eq3A = arith.constant 0 : i32
    %eq3A_40 = vector.broadcast %eq3A : i32 to vector<8x128xi32>
    %eq3A_41 = arith.cmpi eq, %iota3A_38, %eq3A_40 : vector<8x128xi32>
    %eq3A_42 = arith.constant 0 : i32
    %eq3A_43 = vector.broadcast %eq3A_42 : i32 to vector<8x128xi32>
    %eq3A_44 = arith.cmpi eq, %iota3A_39, %eq3A_43 : vector<8x128xi32>
    %and3A = arith.andi %eq3A_41, %eq3A_44 : vector<8x128xi1>
    %eq3A_45 = arith.constant 0 : i32
    %eq3A_46 = vector.broadcast %eq3A_45 : i32 to vector<8x128xi32>
    %eq3A_47 = arith.cmpi eq, %iota3A_38, %eq3A_46 : vector<8x128xi32>
    %eq3A_48 = arith.constant 1 : i32
    %eq3A_49 = vector.broadcast %eq3A_48 : i32 to vector<8x128xi32>
    %eq3A_50 = arith.cmpi eq, %iota3A_39, %eq3A_49 : vector<8x128xi32>
    %and3A_51 = arith.andi %eq3A_47, %eq3A_50 : vector<8x128xi1>
    %jit3A_52 = arith.constant 0.000000e+00 : f32
    %broadcast_in_dim3A_53 = vector.broadcast %reduce_min3A_37 : f32 to vector<8x128xf32>
    %broadcast_in_dim3A_54 = vector.broadcast %jit3A_52 : f32 to vector<8x128xf32>
    %select_n3A_55 = arith.select %and3A_51, %broadcast_in_dim3A_53, %broadcast_in_dim3A_54 : vector<8x128xi1>, vector<8x128xf32>
    %broadcast_in_dim3A_56 = vector.broadcast %bitcast_convert_type3A : f32 to vector<8x128xf32>
    %select_n3A_57 = arith.select %and3A, %broadcast_in_dim3A_56, %select_n3A_55 : vector<8x128xi1>, vector<8x128xf32>
    %swap3A = arith.constant 0 : index
    %swap3A_58 = arith.constant 0 : index
    %swap3A_59 = vector.load %arg2[%swap3A, %swap3A_58] : memref<8x128xf32, #tpu.memory_space<vmem>>, vector<8x128xf32>
    tpu.vector_store %arg2[%swap3A, %swap3A_58], %select_n3A_57 {strides = array<i32>} : memref<8x128xf32, #tpu.memory_space<vmem>>, vector<8x128xf32>,
    return
  }
}

module attributes {stable_mosaic.version = 14 : i64} {
  func.func @body(%arg0: i32, %arg1: memref<512x2048xf32, #tpu.memory_space<vmem>>, %arg2: memref<8x128xf32, #tpu.memory_space<vmem>>) attributes {dimension_semantics = [#tpu.dimension_semantics<arbitrary>], iteration_bounds = array<i64: 16>, scalar_prefetch = 0 : i64, scratch_operands = 0 : i64, tpu.core_type = #tpu.core_type<tc>, window_params = [{transform_indices = @transform_0, window_bounds = array<i64: 512, 2048>}, {pipeline_mode = #tpu.pipeline_mode<synchronous>, transform_indices = @transform_1, window_bounds = array<i64: 8, 128>}]} {
    %get3A = arith.constant 0 : index
    %get3A_0 = arith.constant 0 : index
    %get3A_1 = vector.load %arg1[%get3A, %get3A_0] : memref<512x2048xf32, #tpu.memory_space<vmem>>, vector<512x2048xf32>
    %reduce_min3A = vector.shape_cast %get3A_1 : vector<512x2048xf32> to vector<1x512x2048xf32>
    %reduce_min3A_2 = arith.constant dense<0x7F800000> : vector<1xf32>
    %reduce_min3A_3 = vector.multi_reduction <minimumf>, %reduce_min3A, %reduce_min3A_2 [1, 2] : vector<1x512x2048xf32> to vector<1xf32>
    %reduce_min3A_4 = vector.shape_cast %reduce_min3A_3 : vector<1xf32> to vector<1x1x1xf32>
    %reduce_min3A_5 = vector.extract %reduce_min3A_4[0, 0, 0] : f32 from vector<1x1x1xf32>
    %broadcast_in_dim3A = vector.broadcast %reduce_min3A_5 : f32 to vector<8x128xf32>
    %eq3A = arith.constant 0 : i32
    %eq3A_6 = arith.cmpi eq, %arg0, %eq3A : i32
    %get3A_7 = arith.constant 0 : index
    %get3A_8 = arith.constant 0 : index
    %get3A_9 = vector.load %arg2[%get3A_7, %get3A_8] : memref<8x128xf32, #tpu.memory_space<vmem>>, vector<8x128xf32>
    %min3A = arith.minimumf %get3A_9, %broadcast_in_dim3A : vector<8x128xf32>
    %select_n3A = arith.select %eq3A_6, %broadcast_in_dim3A, %min3A : vector<8x128xf32>
    %swap3A = arith.constant 0 : index
    %swap3A_10 = arith.constant 0 : index
    %swap3A_11 = vector.load %arg2[%swap3A, %swap3A_10] : memref<8x128xf32, #tpu.memory_space<vmem>>, vector<8x128xf32>
    tpu.vector_store %arg2[%swap3A, %swap3A_10], %select_n3A {strides = array<i32>} : memref<8x128xf32, #tpu.memory_space<vmem>>, vector<8x128xf32>,
    return
  }
  func.func @transform_0(%arg0: i32) -> (i32, i32) {
    %c0_i32 = arith.constant 0 : i32
    %c0_i32_0 = arith.constant 0 : i32
    return %arg0, %c0_i32 : i32, i32
  }
  func.func @transform_1(%arg0: i32) -> (i32, i32) {
    %c0_i32 = arith.constant 0 : i32
    %c0_i32_0 = arith.constant 0 : i32
    %c0_i32_1 = arith.constant 0 : i32
    return %c0_i32, %c0_i32_0 : i32, i32
  }
}

</mosaic_0001>

<sc_bundles>
// kernel: kernel.5.cloned.1.call-start
scs
__scs_entry_jumppad:
0x0: {  	(pc) =	sbr.rel $0x88, $3  }
0x1: {  	(tag) =	ssettag $0x0;
	lr =	simm.s32 $0x1  }
0x2: {  	[smem:$0x3FA0] =	sst lr;
	_ =	strace $0xD0000000  }
0x3: {  	_ = 	snop  }
0x4: {  	_ = 	snop  }
0x5: {  	_ = 	snop  }
0x6: {  	_ = 	snop  }
0x7: {  	_ = 	snop  }
__scs_overlays_trampoline_lowered:
0x8: {  	[smem:$0x3FAF] =	sst s0  }
0x9: {  	[smem:$0x3FB0] =	sst s1  }
0xa: {  	[smem:$0x3FB1] =	sst s2  }
0xb: {  	[smem:$0x3FB2] =	sst s3  }
0xc: {  	[smem:$0x3FB3] =	sst s4  }
0xd: {  	[smem:$0x3FB4] =	sst s5  }
0xe: {  	[smem:$0x3FB5] =	sst s6  }
0xf: {  	[smem:$0x3FB6] =	sst s7  }
0x10: {  	[smem:$0x3FB7] =	sst s8  }
0x11: {  	[smem:$0x3FB8] =	sst s9;
	s0 =	simm.s32 @!p0 $0x0  }
0x12: {  	s1 =	sld [smem:$0x3F9E];
	s0 =	simm.s32 @p0 $0x1  }
0x13: {  	[smem:$0x3FB9] =	sst s0;
	s0 =	simm.s32 @!p1 $0x0  }
0x14: {  	s2 =	sld [smem:$0x3F9D];
	s0 =	simm.s32 @p1 $0x1  }
0x15: {  	[smem:$0x3FBA] =	sst s0;
	s0 =	simm.s32 @!p2 $0x0  }
0x16: {  	s3 =	sld [smem:$0x3FDB];
	s0 =	simm.s32 @p2 $0x1  }
0x17: {  	s4 =	simm.s32 $0x1BF5;
	[smem:$0x3FBC] =	sst s0  }
0x18: {  	s0 =	sld [smem:$0x3F9F];
	_ =	swait.ge [sflag:s4], $0x0  }
0x19: {  	s7 =	sld [smem:$0x3FA0]  }
0x1a: {  	s8 =	sadd.s32 $0xFFFFE003, lr  }
0x1b: {  	s9 =	sadd.s32 $0xFFFFFEF7, lr;
	s5 =	simm.s32 $0xFFFFFFFF;
	p2 =	slt.u32 s8, $0xFFFFF086  }
0x1c: {  	p1 =	slt.u32 s9, $0xF7A;
	s5 =	simm.s32 @!p2 $0x0  }
0x1d: {  	s5 =	simm.s32 @p1 $0x1;
	p0 =	seq.s32 s7, s2  }
0x1e: {  	s7 =	smul.u32 @!p0 $0xF7A, s2;
	p2 =	seq.s32 @!p0 s5, $0x0  }
0x1f: {  	s9 =	smul.u32 $0xF7A, s1;
	s8 =	simm.s32 @!p0 $0x1BF5;
	p2 =	por !p2, p0  }
0x20: {  	[sflag:s8] =	ssyncset.s32 @!p0 $0xFFFFF086;
	s6 =	sadd.s32 @!p0 s3, s7;
	s7 =	simm.s32 @!p0 $0x108  }
0x21: {  	s3 =	sadd.s32 s3, s9;
	s6 =	sadd.s32 @!p0 $0x88, s6;
	s7 =	simm.s32 @p2 $0x1082  }
0x22: {  	[simem:s7], [sflag:s8] =	dma.local @!p0 [hbm:s6], $0xF7A  }
0x23: {  	s9 =	sor.u32 $0xD0000000, s2;
	s6 =	simm.s32 $0x108;
	_ =	swait.ge @!p0 [sflag:s8], $0x0  }
0x24: {  	s3 =	sadd.s32 $0x88, s3;
	s6 =	simm.s32 @!p1 $0x1082;
	[sflag:s4] =	ssyncset.s32 $0xFFFFF086  }
0x25: {  	[simem:s6], [sflag:s4] =	dma.local [hbm:s3], $0xF7A  }
0x26: {  	[smem:$0x3FA0] =	sst s1;
	(tag) =	ssettag s2;
	_ =	strace s9  }
0x27: {  	s1 =	sld [smem:$0x3FB0]  }
0x28: {  	s2 =	sld [smem:$0x3FB1]  }
0x29: {  	s4 =	sld [smem:$0x3FB3]  }
0x2a: {  	p0 =	seq.s32 s5, $0x0;
	s5 =	sld [smem:$0x3FB4]  }
0x2b: {  	s6 =	sld [smem:$0x3FB5]  }
0x2c: {  	s7 =	sld [smem:$0x3FB6]  }
0x2d: {  	s3 =	simm.s32 $0x108;
	s8 =	sld [smem:$0x3FB7]  }
0x2e: {  	s3 =	simm.s32 @!p0 $0x1082;
	s9 =	sld [smem:$0x3FB8]  }
0x2f: {  	lr =	sadd.s32 s0, s3;
	s0 =	sld [smem:$0x3FAF]  }
0x30: {  	s3 =	sld [smem:$0x3FB2]  }
0x31: {  	[smem:$0x3FBB] =	sst s10  }
0x32: {  	s10 =	sld [smem:$0x3FB9];
	_ =	sdelay $0x3  }
0x33: {  	p0 =	seq.s32 s10, $0x1;
	s10 =	sld [smem:$0x3FBB];
	_ =	sdelay $0x3  }
0x34: {  	[smem:$0x3FBB] =	sst s10  }
0x35: {  	s10 =	sld [smem:$0x3FBA];
	_ =	sdelay $0x3  }
0x36: {  	p1 =	seq.s32 s10, $0x1;
	s10 =	sld [smem:$0x3FBB];
	_ =	sdelay $0x3  }
0x37: {  	[smem:$0x3FBB] =	sst s10  }
0x38: {  	s10 =	sld [smem:$0x3FBC]  }
0x39: {  	_ = 	snop;
	(pc) =	sbr.ind lr, $3  }
0x3a: {  	_ = 	snop  }
0x3b: {  	_ = 	snop  }
0x3c: {  	p2 =	seq.s32 s10, $0x1;
	s10 =	sld [smem:$0x3FBB]  }
0x3d: {  	_ =	shalt  }
0x3e: {  	_ =	shalt  }
0x3f: {  	_ =	shalt  }
0x40: {  	_ =	shalt  }
0x41: {  	_ =	shalt  }
0x42: {  	_ =	shalt  }
0x43: {  	_ =	shalt  }
0x44: {  	_ =	shalt  }
0x45: {  	_ =	shalt  }
0x46: {  	_ =	shalt  }
0x47: {  	_ =	shalt  }
0x48: {  	_ =	shalt  }
0x49: {  	_ =	shalt  }
0x4a: {  	_ =	shalt  }
0x4b: {  	_ =	shalt  }
0x4c: {  	_ =	shalt  }
0x4d: {  	_ =	shalt  }
0x4e: {  	_ =	shalt  }
0x4f: {  	_ =	shalt  }
0x50: {  	_ =	shalt  }
0x51: {  	_ =	shalt  }
0x52: {  	_ =	shalt  }
0x53: {  	_ =	shalt  }
0x54: {  	_ =	shalt  }
0x55: {  	_ =	shalt  }
0x56: {  	_ =	shalt  }
0x57: {  	_ =	shalt  }
0x58: {  	_ =	shalt  }
0x59: {  	_ =	shalt  }
0x5a: {  	_ =	shalt  }
0x5b: {  	_ =	shalt  }
0x5c: {  	_ =	shalt  }
0x5d: {  	_ =	shalt  }
0x5e: {  	_ =	shalt  }
0x5f: {  	_ =	shalt  }
0x60: {  	_ =	shalt  }
0x61: {  	_ =	shalt  }
0x62: {  	_ =	shalt  }
0x63: {  	_ =	shalt  }
0x64: {  	_ =	shalt  }
0x65: {  	_ =	shalt  }
0x66: {  	_ =	shalt  }
0x67: {  	_ =	shalt  }
0x68: {  	_ =	shalt  }
0x69: {  	_ =	shalt  }
0x6a: {  	_ =	shalt  }
0x6b: {  	_ =	shalt  }
0x6c: {  	_ =	shalt  }
0x6d: {  	_ =	shalt  }
0x6e: {  	_ =	shalt  }
0x6f: {  	_ =	shalt  }
0x70: {  	_ =	shalt  }
0x71: {  	_ =	shalt  }
0x72: {  	_ =	shalt  }
0x73: {  	_ =	shalt  }
0x74: {  	_ =	shalt  }
0x75: {  	_ =	shalt  }
0x76: {  	_ =	shalt  }
0x77: {  	_ =	shalt  }
0x78: {  	_ =	shalt  }
0x79: {  	_ =	shalt  }
0x7a: {  	_ =	shalt  }
0x7b: {  	_ =	shalt  }
0x7c: {  	_ =	shalt  }
0x7d: {  	_ =	shalt  }
0x7e: {  	_ =	shalt  }
0x7f: {  	_ =	shalt  }
0x80: {  	_ =	shalt  }
0x81: {  	_ =	shalt  }
0x82: {  	_ =	shalt  }
0x83: {  	_ =	shalt  }
0x84: {  	_ =	shalt  }
0x85: {  	_ =	shalt  }
0x86: {  	_ =	shalt  }
0x87: {  	_ =	shalt  }
.Lfunc_end0:
.L_simem_size_0:
called_computation_lowered:
.L_overlay_start_0:
0x88: {  	s2 =	sld [smem:$0x3FD9]  }
0x89: {  	s3 =	sld [smem:$0x3FFE];
	_ =	sdelay $0x1  }
0x8a: {  	s1 =	srdreg.scid  }
0x8b: {  	s0 =	sand.u32 $0x1, s1  }
0x8c: {  	s17 =	sshll.u32 s0, $0xA;
	s2 =	sadd.s32 s3, s2  }
0x8d: {  	s2 =	sadd.s32 s2, s17  }
0x8e: {  	[smem:$0x3FC7] =	sst s2  }
0x8f: {  	_ = 	snop  }
0x90: {  	s2 =	sld [smem:$0x3FC9];
	(tm) =	ssettm $0x1  }
0x91: {  	s18 =	sld [smem:$0x3FFB];
	_ =	sdelay $0x3  }
0x92: {  	_ =	strace s18  }
0x93: {  	s3 =	sld [smem:$0x3FFC];
	_ =	sdelay $0x3  }
0x94: {  	_ =	strace s3  }
0x95: {  	s3 =	sld [smem:$0x3FFD];
	_ =	sdelay $0x3  }
0x96: {  	_ =	strace s3  }
0x97: {  	_ =	strace $0x8FFFFFFF  }
0x98: {  	s19 =	sld [smem:$0x3FDB];
	_ =	sdelay $0x1  }
0x99: {  	s4 =	simm.s32 $_scs_section_size  }
0x9a: {  	s5 =	simm.s32 $_size__tile_overlayer_lowered;
	s6 =	simm.s32 $_tile_overlayer_lowered  }
0x9b: {  	s22 =	simm.s32 $0x1BFF;
	s21 =	sshll.u32 s6, $0x1;
	s3 =	sadd.s32 s4, s19  }
0x9c: {  	s7 =	simm.s32 $0x0;
	s20 =	sshll.u32 s5, $0x1;
	s5 =	sadd.s32 s21, s3  }
0x9d: {  	[timem:s7], [sflag:s22] =	dma.local [hbm:s5], s20  }
0x9e: {  	_ =	swait.ge [sflag:s22], s20  }
0x9f: {  	s4 =	ssub.s32 $0x0, s20;
	[sflag:s22] =	ssyncset.done $0x0  }
0xa0: {  	[sflag:s22] =	ssyncadd.s32 s4;
	_ =	sdelay $0x1  }
0xa1: {  	s23 =	simm.s32 $0x1B8B  }
0xa2: {  	_ =	swait.ge [sflag:s23], $0x1  }
0xa3: {  	[sflag:s23] =	ssyncset.done $0x0  }
0xa4: {  	s25 =	simm.s32 $0x1B8E;
	s24 =	sld [smem:$0x3FFE];
	[sflag:s23] =	ssyncadd.s32 $0xFFFFFFFF  }
0xa5: {  	s26 =	simm.s32 $execute0_lowered;
	[smem:$0x3FD2] =	sst s25  }
0xa6: {  	s5 =	sshll.u32 s26, $0x1;
	_ =	strace $0x80000046;
	[dreg:$0x1] =	wrdreg $0xFFFFFFFF  }
0xa7: {  	s28 =	simm.s32 $_size_execute0_lowered;
	s3 =	sadd.s32 s3, s5;
	[dreg:$0x0] =	wrdreg $0x0  }
0xa8: {  	s5 =	sshll.u32 s28, $0x1;
	[dreg:$0x2] =	wrdreg s3  }
0xa9: {  	[dreg:$0x3] =	wrdreg s5  }
0xaa: {  	[dreg:$0x4] =	wrdreg $0xC0  }
0xab: {  	_ =	task [dreg:s7], $0x5FFFF  }
0xac: {  	[dreg:$0x1] =	wrdreg $0xFFFFFFFF  }
0xad: {  	[dreg:$0x0] =	wrdreg $0x60  }
0xae: {  	[dreg:$0x2] =	wrdreg s2  }
0xaf: {  	[dreg:$0x3] =	wrdreg s24  }
0xb0: {  	[dreg:$0x4] =	wrdreg $0x9  }
0xb1: {  	_ =	task.clear_ibuf [dreg:s7], $0x5FFFF;
	_ =	strace $0x90000046  }
0xb2: {  	s29 =	simm.s32 $0x9;
	_ =	strace $0x80000048  }
0xb3: {  	_ =	swait.ge [sflag:s29], $0x1  }
0xb4: {  	[sflag:s29] =	ssyncadd.s32 $0xFFFFFFFF  }
0xb5: {  	_ =	strace $0x90000048  }
0xb6: {  	_ =	sfence  }
0xb7: {  	s30 =	sld [smem:$0x0];
	_ =	sdelay $0x2  }
0xb8: {  	s31 =	sshll.u32 s1, $0xD;
	s1 =	sshrl.u32 s1, $0x2  }
0xb9: {  	s3 =	sand.u32 $0x4000, s31;
	s1 =	sadd.s32 s1, s30  }
0xba: {  	s0 =	sor.u32 s3, s0;
	s1 =	sshll.u32 s1, $0x11  }
0xbb: {  	s0 =	sor.u32 s1, s0  }
0xbc: {  	s0 =	sadd.s32 $0x8F2B, s0  }
0xbd: {  	[sflag:s0] =	ssyncadd.remote.s32 $0x1  }
0xbe: {  	_ =	sfence.sel $0xFFFF  }
0xbf: {  	[dreg:$0x0] =	wrdreg $0xFFFFFFFF;
	(pc) =	sbr.abs _section_cstart, $3  }
0xc0: {  	[dreg:$0x1] =	wrdreg $0xFFFFFFFF  }
0xc1: {  	_ =	task.clear_ibuf [dreg:s7], $0x2FFFF;
	_ =	strace $0x9FFFFFFF  }
0xc2: {  	(tm) =	ssettm $0x7FFFFFFF  }
0xc3: {  	_ =	shalt  }
tec
execute0_lowered:
.L_overlay_start_1:
0x0: {  	(tag) =	ssettag $0x1  }
0x1: {  	s0 =	rddreg [dreg:$0x0]  }
0x2: {  	s1 =	rddreg [dreg:$0x1]  }
0x3: {  	s2 =	srdreg.scid;
	s5 =	stileid.u32;
	s16 =	simm.s32 $0x14000  }
0x4: {  	s17 =	simm.s32 $0x1;
	s18 =	simm.s32 $0x2;
	s19 =	simm.s32 $0x3  }
0x5: {  	s20 =	simm.s32 $0x4;
	s21 =	simm.s32 $0x5;
	s22 =	simm.s32 $0x0  }
0x6: {  	s23 =	simm.s32 $0x0;
	s3 =	sand.u32 $0x1, s2;
	s2 =	simm.s32 $0x0  }
0x7: {  	s4 =	sshll.u32 s3, $0x4;
	[smem:$0x7FF] =	sst s2;
	s24 =	ssub.s32 $0x2, s3  }
0x8: {  	s4 =	sor.u32 s5, s4;
	_ =	strace $0x80000047;
	s6 =	sshrl.u32 s24, $0x1  }
0x9: {  	s25 =	sshll.u32 s4, $0x10;
	s4 =	sshll.u32 s4, $0xC;
	s28 =	ssub.s32 s24, s6  }
.Ltmp0:
0xa: {  	s3 =	sadd.s32 s0, s25;
	s26 =	sadd.s32 s4, s1;
	(pc) =	sbr.rel .LBB2_1-.Ltmp0, $4  }
0xb: {  	s12 =	smax.u32 s28, $0x1;
	s29 =	sadd.s32 $0x800, s3;
	s30 =	sadd.s32 $0x1000, s3  }
0xc: {  	s31 =	sadd.s32 $0x1800, s3;
	s7 =	sadd.s32 $0x2000, s3;
	[dreg:$0x3] =	wrdreg s29  }
0xd: {  	s8 =	sadd.s32 $0x2800, s3;
	s9 =	sadd.s32 $0x3000, s3;
	[dreg:$0x4] =	wrdreg s30  }
0xe: {  	v0 =	vimm.s32 $0x0;
	v1 =	vimm.s32 $0x1;
	s10 =	sadd.s32 $0x3800, s3;
	s11 =	sadd.s32 $0x400, s26;
	[dreg:$0x5] =	wrdreg s31  }
.LBB2_14:
0xf: {  	s22 =	sadd.s32 $0x1, s22  }
0x10: {  	p0 =	sne.s32 s22, s12  }
.Ltmp1:
0x11: {  	_ = 	snop;
	(pc) =	sbr.rel @!p0 .LBB2_15-.Ltmp1, $4  }
0x12: {  	[hbm4b:s11+s2] =	stream.linear.scatter [tilespmem:s2], [sflag:$0x5], $0x8000, $0x38;
	[tilespmem:$0x18000] =	vst v63  }
0x13: {  	_ =	swait.ge [sflag:s21], $0x8000  }
0x14: {  	[sflag:s21] =	ssyncset.done $0x0  }
0x15: {  	[sflag:s21] =	ssyncadd.s32 $0xFFFF8000  }
.LBB2_1:
0x16: {  	s0 =	simm.s32 $0x0;
	s1 =	simm.s32 $0x200  }
.LBB2_2:
0x17: {  	p0 =	sne.s32 s1, $0x1FE00;
	[tilespmem:s0+$0x70] =	vst v0  }
0x18: {  	[tilespmem:s0+$0x0] =	vst v0  }
0x19: {  	[tilespmem:s0+$0x10] =	vst v0  }
.Ltmp2:
0x1a: {  	[tilespmem:s0+$0x20] =	vst v0;
	(pc) =	sbr.rel @p0 .LBB2_2-.Ltmp2, $4  }
0x1b: {  	[tilespmem:s0+$0x30] =	vst v0  }
0x1c: {  	[tilespmem:s0+$0x40] =	vst v0  }
0x1d: {  	[tilespmem:s0+$0x50] =	vst v0  }
0x1e: {  	[tilespmem:s0+$0x60] =	vst v0;
	s0 =	sshra.s32 s1, $0x2;
	s1 =	sadd.s32 $0x200, s1  }
0x1f: {  	[tilespmem:s0+$0x70] =	vst v0  }
0x20: {  	[tilespmem:s0+$0x0] =	vst v0  }
0x21: {  	[tilespmem:s0+$0x10] =	vst v0  }
0x22: {  	[tilespmem:s0+$0x20] =	vst v0  }
0x23: {  	[tilespmem:s0+$0x30] =	vst v0  }
0x24: {  	[tilespmem:s0+$0x40] =	vst v0  }
0x25: {  	[tilespmem:s0+$0x50] =	vst v0  }
0x26: {  	[tilespmem:s0+$0x60] =	vst v0;
	s26 =	simm.s32 $0x8000  }
0x27: {  	[tilespmem:s26], [sflag:$0x1] =	stream.linear.gather [hbm4b:s3+s23], $0x4000, $0x38;
	[tilespmem:$0x18000] =	vst v63  }
0x28: {  	s28 =	rddreg [dreg:$0x3];
	s1 =	simm.s32 $0xC000  }
0x29: {  	[tilespmem:s1], [sflag:$0x2] =	stream.linear.gather [hbm4b:s28+s23], $0x4000, $0x38;
	[tilespmem:$0x18000] =	vst v63  }
0x2a: {  	s29 =	rddreg [dreg:$0x4];
	s30 =	simm.s32 $0x10000  }
0x2b: {  	[tilespmem:s30], [sflag:$0x3] =	stream.linear.gather [hbm4b:s29+s23], $0x4000, $0x38;
	[tilespmem:$0x18000] =	vst v63  }
0x2c: {  	s31 =	rddreg [dreg:$0x5];
	s24 =	simm.s32 $0x0  }
0x2d: {  	[tilespmem:s16], [sflag:$0x4] =	stream.linear.gather [hbm4b:s31+s23], $0x4000, $0x38;
	[tilespmem:$0x18000] =	vst v63  }
.LBB2_4:
0x2e: {  	_ =	swait.ge [sflag:s17], $0x4000  }
0x2f: {  	s0 =	sand.u32 $0x70, s23;
	s1 =	sand.u32 $0x3C00, s23;
	[sflag:s17] =	ssyncset.done $0x0  }
0x30: {  	s0 =	sor.u32 s0, s1;
	[sflag:s17] =	ssyncadd.s32 $0xFFFFC000  }
0x31: {  	v2 =	vld [tilespmem:s0+$0x8000];
	_ =	sdelay $0x4  }
0x32: {  	v2 =	vshrl.u32 v2, $0x10  }
0x33: {  	v2 =	vand.u32 $0x7FFF, v2;
	_ =	sdelay $0x4  }
0x34: {  	[tilespmem:v2+s2+$0x0] =	vst.idx.add.s32.msk $0xffff, v1  }
0x35: {  	v2 =	vld [tilespmem:s0+$0x8080]  }
0x36: {  	s6 =	simm.s32 $0x10;
	s25 =	simm.s32 $0x80  }
0x37: {  	s1 =	sand.u32 $0x70, s6;
	s4 =	sand.u32 $0x3C00, s25  }
0x38: {  	s4 =	sor.u32 s1, s4  }
0x39: {  	v3 =	vld [tilespmem:s4+$0x8000]  }
0x3a: {  	v2 =	vshrl.u32 v2, $0x10  }
0x3b: {  	v2 =	vand.u32 $0x7FFF, v2;
	_ =	sdelay $0x2  }
0x3c: {  	v3 =	vshrl.u32 v3, $0x10  }
0x3d: {  	v3 =	vand.u32 $0x7FFF, v3  }
0x3e: {  	[tilespmem:v2+s2+$0x0] =	vst.idx.add.s32.msk $0xffff, v1  }
0x3f: {  	v2 =	vld [tilespmem:s0+$0x8100];
	_ =	sdelay $0x2  }
0x40: {  	[tilespmem:v3+s2+$0x0] =	vst.idx.add.s32.msk $0xffff, v1  }
0x41: {  	v3 =	vld [tilespmem:s4+$0x8080]  }
0x42: {  	s13 =	simm.s32 $0x20;
	s26 =	simm.s32 $0x100;
	v2 =	vshrl.u32 v2, $0x10  }
0x43: {  	s5 =	sand.u32 $0x3C00, s26;
	s1 =	sand.u32 $0x70, s13;
	v2 =	vand.u32 $0x7FFF, v2  }
0x44: {  	s30 =	sor.u32 s1, s5  }
0x45: {  	v4 =	vld [tilespmem:s30+$0x8000]  }
0x46: {  	v3 =	vshrl.u32 v3, $0x10  }
0x47: {  	v3 =	vand.u32 $0x7FFF, v3  }
0x48: {  	[tilespmem:v2+s2+$0x0] =	vst.idx.add.s32.msk $0xffff, v1  }
0x49: {  	v2 =	vld [tilespmem:s0+$0x8180]  }
0x4a: {  	v4 =	vshrl.u32 v4, $0x10  }
0x4b: {  	v4 =	vand.u32 $0x7FFF, v4  }
0x4c: {  	[tilespmem:v3+s2+$0x0] =	vst.idx.add.s32.msk $0xffff, v1  }
0x4d: {  	v3 =	vld [tilespmem:s4+$0x8100]  }
0x4e: {  	v2 =	vshrl.u32 v2, $0x10  }
0x4f: {  	v2 =	vand.u32 $0x7FFF, v2  }
0x50: {  	s14 =	simm.s32 $0x30;
	s28 =	simm.s32 $0x180;
	[tilespmem:v4+s2+$0x0] =	vst.idx.add.s32.msk $0xffff, v1  }
0x51: {  	s15 =	sand.u32 $0x3C00, s28;
	s1 =	sand.u32 $0x70, s14;
	v4 =	vld [tilespmem:s30+$0x8080]  }
0x52: {  	s31 =	sor.u32 s1, s15;
	v3 =	vshrl.u32 v3, $0x10  }
0x53: {  	v5 =	vld [tilespmem:s31+$0x8000];
	v3 =	vand.u32 $0x7FFF, v3  }
0x54: {  	[tilespmem:v2+s2+$0x0] =	vst.idx.add.s32.msk $0xffff, v1  }
0x55: {  	v2 =	vld [tilespmem:s0+$0x8200]  }
0x56: {  	v4 =	vshrl.u32 v4, $0x10  }
0x57: {  	v4 =	vand.u32 $0x7FFF, v4  }
0x58: {  	[tilespmem:v3+s2+$0x0] =	vst.idx.add.s32.msk $0xffff, v1;
	v3 =	vshrl.u32 v5, $0x10  }
0x59: {  	v5 =	vld [tilespmem:s4+$0x8180];
	v3 =	vand.u32 $0x7FFF, v3  }
0x5a: {  	v2 =	vshrl.u32 v2, $0x10  }
0x5b: {  	v2 =	vand.u32 $0x7FFF, v2  }
0x5c: {  	[tilespmem:v4+s2+$0x0] =	vst.idx.add.s32.msk $0xffff, v1  }
0x5d: {  	v4 =	vld [tilespmem:s30+$0x8100]  }
0x5e: {  	v5 =	vshrl.u32 v5, $0x10;
	[tilespmem:v3+s2+$0x0] =	vst.idx.add.s32.msk $0xffff, v1  }
0x5f: {  	v3 =	vand.u32 $0x7FFF, v5;
	v5 =	vld [tilespmem:s31+$0x8080]  }
0x60: {  	s29 =	simm.s32 $0x200;
	s6 =	simm.s32 $0x40;
	[tilespmem:v2+s2+$0x0] =	vst.idx.add.s32.msk $0xffff, v1  }
0x61: {  	s13 =	sand.u32 $0x3C00, s29;
	s1 =	sand.u32 $0x70, s6;
	v2 =	vld [tilespmem:s0+$0x8280]  }
0x62: {  	s1 =	sor.u32 s1, s13;
	v4 =	vshrl.u32 v4, $0x10  }
0x63: {  	v6 =	vld [tilespmem:s1+$0x8000];
	v4 =	vand.u32 $0x7FFF, v4  }
0x64: {  	[tilespmem:v3+s2+$0x0] =	vst.idx.add.s32.msk $0xffff, v1;
	v3 =	vshrl.u32 v5, $0x10  }
0x65: {  	v3 =	vand.u32 $0x7FFF, v3;
	v5 =	vld [tilespmem:s4+$0x8200]  }
0x66: {  	v2 =	vshrl.u32 v2, $0x10  }
0x67: {  	v2 =	vand.u32 $0x7FFF, v2  }
0x68: {  	[tilespmem:v4+s2+$0x0] =	vst.idx.add.s32.msk $0xffff, v1;
	v4 =	vshrl.u32 v6, $0x10  }
0x69: {  	v6 =	vld [tilespmem:s30+$0x8180];
	v4 =	vand.u32 $0x7FFF, v4  }
0x6a: {  	[tilespmem:v3+s2+$0x0] =	vst.idx.add.s32.msk $0xffff, v1;
	v3 =	vshrl.u32 v5, $0x10  }
0x6b: {  	v5 =	vld [tilespmem:s31+$0x8100];
	v3 =	vand.u32 $0x7FFF, v3  }
0x6c: {  	[tilespmem:v2+s2+$0x0] =	vst.idx.add.s32.msk $0xffff, v1  }
0x6d: {  	v2 =	vld [tilespmem:s0+$0x8300]  }
0x6e: {  	v6 =	vshrl.u32 v6, $0x10;
	[tilespmem:v4+s2+$0x0] =	vst.idx.add.s32.msk $0xffff, v1  }
0x6f: {  	v4 =	vand.u32 $0x7FFF, v6;
	v6 =	vld [tilespmem:s1+$0x8080]  }
0x70: {  	s14 =	simm.s32 $0x50;
	v5 =	vshrl.u32 v5, $0x10;
	[tilespmem:v3+s2+$0x0] =	vst.idx.add.s32.msk $0xffff, v1;
	s0 =	simm.s32 $0x280  }
0x71: {  	s5 =	sand.u32 $0x70, s14;
	v3 =	vand.u32 $0x7FFF, v5;
	v5 =	vld [tilespmem:s4+$0x8280];
	s13 =	sand.u32 $0x3C00, s0  }
0x72: {  	s14 =	sor.u32 s5, s13;
	v2 =	vshrl.u32 v2, $0x10  }
0x73: {  	v7 =	vld [tilespmem:s14+$0x8000];
	v2 =	vand.u32 $0x7FFF, v2  }
0x74: {  	[tilespmem:v4+s2+$0x0] =	vst.idx.add.s32.msk $0xffff, v1;
	v4 =	vshrl.u32 v6, $0x10  }
0x75: {  	s15 =	sand.u32 $0x7, s23;
	v4 =	vand.u32 $0x7FFF, v4;
	v6 =	vld [tilespmem:s30+$0x8200]  }
0x76: {  	[tilespmem:v3+s2+$0x0] =	vst.idx.add.s32.msk $0xffff, v1;
	v3 =	vshrl.u32 v5, $0x10;
	s5 =	sshll.u32 s15, $0x4  }
0x77: {  	v5 =	vld [tilespmem:s31+$0x8180];
	v3 =	vand.u32 $0x7FFF, v3;
	s5 =	sadd.s32 $0x0, s5  }
0x78: {  	s5 =	sor.u32 $0x380, s5;
	v7 =	vshrl.u32 v7, $0x10;
	[tilespmem:v2+s2+$0x0] =	vst.idx.add.s32.msk $0xffff, v1  }
0x79: {  	v2 =	vand.u32 $0x7FFF, v7;
	v7 =	vld [tilespmem:s5+$0x8000]  }
0x7a: {  	[tilespmem:v4+s2+$0x0] =	vst.idx.add.s32.msk $0xffff, v1;
	v4 =	vshrl.u32 v6, $0x10  }
0x7b: {  	v6 =	vld [tilespmem:s1+$0x8100];
	v4 =	vand.u32 $0x7FFF, v4  }
0x7c: {  	[tilespmem:v3+s2+$0x0] =	vst.idx.add.s32.msk $0xffff, v1;
	v3 =	vshrl.u32 v5, $0x10  }
0x7d: {  	v8 =	vld [tilespmem:s4+$0x8300];
	v3 =	vand.u32 $0x7FFF, v3  }
0x7e: {  	[tilespmem:v2+s2+$0x0] =	vst.idx.add.s32.msk $0xffff, v1;
	v2 =	vshrl.u32 v7, $0x10  }
0x7f: {  	v5 =	vld [tilespmem:s14+$0x8080];
	v2 =	vand.u32 $0x7FFF, v2  }
0x80: {  	s6 =	simm.s32 $0x60;
	[tilespmem:v4+s2+$0x0] =	vst.idx.add.s32.msk $0xffff, v1;
	v6 =	vshrl.u32 v6, $0x10;
	s13 =	simm.s32 $0x300  }
0x81: {  	v4 =	vld [tilespmem:s30+$0x8280];
	v6 =	vand.u32 $0x7FFF, v6;
	s4 =	sand.u32 $0x70, s6;
	s15 =	sand.u32 $0x3C00, s13  }
0x82: {  	s15 =	sor.u32 s4, s15;
	v8 =	vshrl.u32 v8, $0x10;
	[tilespmem:v3+s2+$0x0] =	vst.idx.add.s32.msk $0xffff, v1  }
0x83: {  	s4 =	simm.s32 $0x0;
	v3 =	vand.u32 $0x7FFF, v8;
	s5 =	simm.s32 $0x70;
	v7 =	vld [tilespmem:s15+$0x8000]  }
.LBB2_5:
0x84: {  	p0 =	sne.s32 s5, $0x7F0;
	v5 =	vshrl.u32 v5, $0x10;
	[tilespmem:v2+s2+$0x0] =	vst.idx.add.s32.msk $0xffff, v1;
	s4 =	sadd.s32 $0x1, s4  }
0x85: {  	v2 =	vand.u32 $0x7FFF, v5;
	v5 =	vld [tilespmem:s31+$0x8200];
	s6 =	sand.u32 $0x7, s4  }
0x86: {  	[tilespmem:v6+s2+$0x0] =	vst.idx.add.s32.msk $0xffff, v1;
	v4 =	vshrl.u32 v4, $0x10;
	s6 =	sshll.u32 s6, $0x4  }
0x87: {  	v6 =	vld [tilespmem:s1+$0x8180];
	v4 =	vand.u32 $0x7FFF, v4;
	s6 =	sadd.s32 s6, s25;
	s25 =	smov.u32 s26;
	s26 =	smov.u32 s28  }
0x88: {  	v7 =	vshrl.u32 v7, $0x10;
	s28 =	smov.u32 s29;
	s29 =	smov.u32 s0;
	[tilespmem:v3+s2+$0x0] =	vst.idx.add.s32.msk $0xffff, v1;
	s6 =	sor.u32 $0x380, s6  }
0x89: {  	s0 =	smov.u32 s13;
	v3 =	vand.u32 $0x7FFF, v7;
	v7 =	vld [tilespmem:s6+$0x8000]  }
0x8a: {  	[tilespmem:v2+s2+$0x0] =	vst.idx.add.s32.msk $0xffff, v1;
	v2 =	vshrl.u32 v5, $0x10  }
0x8b: {  	v8 =	vld [tilespmem:s14+$0x8100];
	v9 =	vand.u32 $0x7FFF, v2  }
0x8c: {  	[tilespmem:v4+s2+$0x0] =	vst.idx.add.s32.msk $0xffff, v1  }
0x8d: {  	v2 =	vshrl.u32 v6, $0x10;
	v10 =	vld [tilespmem:s30+$0x8300];
	s30 =	smov.u32 s31;
	s31 =	smov.u32 s1;
	s1 =	smov.u32 s14  }
0x8e: {  	s14 =	smov.u32 s15;
	[tilespmem:v3+s2+$0x0] =	vst.idx.add.s32.msk $0xffff, v1;
	v3 =	vand.u32 $0x7FFF, v2;
	v2 =	vshrl.u32 v7, $0x10  }
.Ltmp3:
0x8f: {  	s13 =	sadd.s32 $0x80, s13;
	v5 =	vld [tilespmem:s14+$0x8080];
	v2 =	vand.u32 $0x7FFF, v2;
	(pc) =	sbr.rel @p0 .LBB2_5-.Ltmp3, $4  }
0x90: {  	s6 =	sand.u32 $0x70, s5;
	s15 =	sand.u32 $0x3C00, s13;
	v4 =	vshrl.u32 v8, $0x10;
	[tilespmem:v9+s2+$0x0] =	vst.idx.add.s32.msk $0xffff, v1  }
0x91: {  	s15 =	sor.u32 s6, s15;
	v6 =	vand.u32 $0x7FFF, v4;
	v4 =	vld [tilespmem:s30+$0x8280]  }
0x92: {  	v7 =	vld [tilespmem:s15+$0x8000];
	v8 =	vshrl.u32 v10, $0x10  }
0x93: {  	s5 =	sadd.s32 $0x10, s5;
	[tilespmem:v3+s2+$0x0] =	vst.idx.add.s32.msk $0xffff, v1;
	v3 =	vand.u32 $0x7FFF, v8  }
0x94: {  	_ =	sdelay $0x2  }
0x95: {  	v7 =	vshrl.u32 v7, $0x10  }
0x96: {  	v7 =	vand.u32 $0x7FFF, v7;
	_ =	sdelay $0x4  }
0x97: {  	[tilespmem:v7+s2+$0x0] =	vst.idx.add.s32.msk $0xffff, v1  }
0x98: {  	v7 =	vld [tilespmem:s15+$0x8080]  }
0x99: {  	v5 =	vshrl.u32 v5, $0x10  }
0x9a: {  	v5 =	vand.u32 $0x7FFF, v5;
	_ =	sdelay $0x2  }
0x9b: {  	v7 =	vshrl.u32 v7, $0x10  }
0x9c: {  	v7 =	vand.u32 $0x7FFF, v7  }
0x9d: {  	[tilespmem:v5+s2+$0x0] =	vst.idx.add.s32.msk $0xffff, v1  }
0x9e: {  	v5 =	vld [tilespmem:s14+$0x8100];
	_ =	sdelay $0x2  }
0x9f: {  	[tilespmem:v7+s2+$0x0] =	vst.idx.add.s32.msk $0xffff, v1  }
0xa0: {  	v7 =	vld [tilespmem:s15+$0x8100]  }
0xa1: {  	v5 =	vshrl.u32 v5, $0x10  }
0xa2: {  	v5 =	vand.u32 $0x7FFF, v5  }
0xa3: {  	[tilespmem:v6+s2+$0x0] =	vst.idx.add.s32.msk $0xffff, v1  }
0xa4: {  	v6 =	vld [tilespmem:s1+$0x8180]  }
0xa5: {  	v7 =	vshrl.u32 v7, $0x10  }
0xa6: {  	v7 =	vand.u32 $0x7FFF, v7  }
0xa7: {  	[tilespmem:v5+s2+$0x0] =	vst.idx.add.s32.msk $0xffff, v1  }
0xa8: {  	v5 =	vld [tilespmem:s14+$0x8180]  }
0xa9: {  	v6 =	vshrl.u32 v6, $0x10  }
0xaa: {  	v6 =	vand.u32 $0x7FFF, v6  }
0xab: {  	[tilespmem:v7+s2+$0x0] =	vst.idx.add.s32.msk $0xffff, v1  }
0xac: {  	v7 =	vld [tilespmem:s15+$0x8180]  }
0xad: {  	v5 =	vshrl.u32 v5, $0x10  }
0xae: {  	v5 =	vand.u32 $0x7FFF, v5  }
0xaf: {  	[tilespmem:v6+s2+$0x0] =	vst.idx.add.s32.msk $0xffff, v1  }
0xb0: {  	v6 =	vld [tilespmem:s1+$0x8200]  }
0xb1: {  	v7 =	vshrl.u32 v7, $0x10  }
0xb2: {  	v8 =	vld [tilespmem:s31+$0x8200];
	v7 =	vand.u32 $0x7FFF, v7  }
0xb3: {  	[tilespmem:v5+s2+$0x0] =	vst.idx.add.s32.msk $0xffff, v1  }
0xb4: {  	v5 =	vld [tilespmem:s14+$0x8200]  }
0xb5: {  	v6 =	vshrl.u32 v6, $0x10  }
0xb6: {  	v6 =	vand.u32 $0x7FFF, v6  }
0xb7: {  	v8 =	vshrl.u32 v8, $0x10;
	[tilespmem:v7+s2+$0x0] =	vst.idx.add.s32.msk $0xffff, v1  }
0xb8: {  	v7 =	vand.u32 $0x7FFF, v8;
	v8 =	vld [tilespmem:s15+$0x8200]  }
0xb9: {  	v5 =	vshrl.u32 v5, $0x10  }
0xba: {  	v5 =	vand.u32 $0x7FFF, v5  }
0xbb: {  	[tilespmem:v6+s2+$0x0] =	vst.idx.add.s32.msk $0xffff, v1  }
0xbc: {  	v6 =	vld [tilespmem:s1+$0x8280]  }
0xbd: {  	[tilespmem:v7+s2+$0x0] =	vst.idx.add.s32.msk $0xffff, v1;
	v7 =	vshrl.u32 v8, $0x10  }
0xbe: {  	v8 =	vld [tilespmem:s31+$0x8280];
	v7 =	vand.u32 $0x7FFF, v7  }
0xbf: {  	v4 =	vshrl.u32 v4, $0x10;
	[tilespmem:v5+s2+$0x0] =	vst.idx.add.s32.msk $0xffff, v1  }
0xc0: {  	v4 =	vand.u32 $0x7FFF, v4;
	v5 =	vld [tilespmem:s14+$0x8280]  }
0xc1: {  	v6 =	vshrl.u32 v6, $0x10  }
0xc2: {  	v6 =	vand.u32 $0x7FFF, v6  }
0xc3: {  	v8 =	vshrl.u32 v8, $0x10;
	[tilespmem:v7+s2+$0x0] =	vst.idx.add.s32.msk $0xffff, v1  }
0xc4: {  	v7 =	vand.u32 $0x7FFF, v8;
	v8 =	vld [tilespmem:s15+$0x8280]  }
0xc5: {  	[tilespmem:v4+s2+$0x0] =	vst.idx.add.s32.msk $0xffff, v1;
	v4 =	vshrl.u32 v5, $0x10  }
0xc6: {  	v5 =	vld [tilespmem:s30+$0x8300];
	v4 =	vand.u32 $0x7FFF, v4  }
0xc7: {  	[tilespmem:v6+s2+$0x0] =	vst.idx.add.s32.msk $0xffff, v1  }
0xc8: {  	v6 =	vld [tilespmem:s1+$0x8300]  }
0xc9: {  	[tilespmem:v7+s2+$0x0] =	vst.idx.add.s32.msk $0xffff, v1;
	v7 =	vshrl.u32 v8, $0x10  }
0xca: {  	v8 =	vld [tilespmem:s31+$0x8300];
	v7 =	vand.u32 $0x7FFF, v7  }
0xcb: {  	v5 =	vshrl.u32 v5, $0x10;
	[tilespmem:v4+s2+$0x0] =	vst.idx.add.s32.msk $0xffff, v1  }
0xcc: {  	v4 =	vand.u32 $0x7FFF, v5;
	v5 =	vld [tilespmem:s14+$0x8300];
	_ =	sdelay $0x1  }
0xcd: {  	s6 =	sadd.s32 $0x1, s4;
	[tilespmem:v3+s2+$0x0] =	vst.idx.add.s32.msk $0xffff, v1;
	v3 =	vshrl.u32 v6, $0x10  }
0xce: {  	s4 =	sand.u32 $0x7, s6;
	v3 =	vand.u32 $0x7FFF, v3;
	v8 =	vshrl.u32 v8, $0x10;
	[tilespmem:v7+s2+$0x0] =	vst.idx.add.s32.msk $0xffff, v1  }
0xcf: {  	s4 =	sshll.u32 s4, $0x4;
	s1 =	sadd.s32 $0x1, s6;
	v7 =	vand.u32 $0x7FFF, v8;
	v8 =	vld [tilespmem:s15+$0x8300]  }
0xd0: {  	s4 =	sadd.s32 s4, s25;
	s5 =	sand.u32 $0x7, s1;
	[tilespmem:v4+s2+$0x0] =	vst.idx.add.s32.msk $0xffff, v1;
	v4 =	vshrl.u32 v5, $0x10  }
0xd1: {  	s4 =	sor.u32 $0x380, s4;
	s1 =	sadd.s32 $0x1, s1;
	s5 =	sshll.u32 s5, $0x4;
	v4 =	vand.u32 $0x7FFF, v4  }
0xd2: {  	v6 =	vld [tilespmem:s4+$0x8000];
	s14 =	sadd.s32 s5, s26;
	s15 =	sand.u32 $0x7, s1  }
0xd3: {  	[tilespmem:v3+s2+$0x0] =	vst.idx.add.s32.msk $0xffff, v1;
	s4 =	sor.u32 $0x380, s14;
	s1 =	sadd.s32 $0x1, s1;
	s5 =	sshll.u32 s15, $0x4  }
0xd4: {  	s26 =	sand.u32 $0x7, s1;
	s1 =	sadd.s32 $0x1, s1;
	s25 =	sadd.s32 s5, s28;
	[tilespmem:v7+s2+$0x0] =	vst.idx.add.s32.msk $0xffff, v1;
	v7 =	vshrl.u32 v8, $0x10  }
0xd5: {  	v5 =	vld [tilespmem:s4+$0x8000];
	s5 =	sshll.u32 s26, $0x4;
	s31 =	sand.u32 $0x7, s1;
	s1 =	sadd.s32 $0x1, s1;
	v7 =	vand.u32 $0x7FFF, v7  }
0xd6: {  	[tilespmem:v4+s2+$0x0] =	vst.idx.add.s32.msk $0xffff, v1;
	s4 =	sor.u32 $0x380, s25;
	s30 =	sadd.s32 s5, s29;
	s5 =	sshll.u32 s31, $0x4  }
0xd7: {  	s1 =	sand.u32 $0x7, s1;
	s0 =	sadd.s32 s5, s0;
	v8 =	vld [tilespmem:s4+$0x8000];
	s4 =	sor.u32 $0x380, s30  }
0xd8: {  	s1 =	sshll.u32 s1, $0x4;
	s0 =	sor.u32 $0x380, s0;
	v3 =	vld [tilespmem:s4+$0x8000]  }
0xd9: {  	s6 =	sadd.s32 s1, s13;
	v4 =	vld [tilespmem:s0+$0x8000]  }
0xda: {  	s0 =	sor.u32 $0x380, s6;
	[tilespmem:v7+s2+$0x0] =	vst.idx.add.s32.msk $0xffff, v1  }
0xdb: {  	v6 =	vshrl.u32 v6, $0x10;
	v7 =	vld [tilespmem:s0+$0x8000]  }
0xdc: {  	v6 =	vand.u32 $0x7FFF, v6;
	v5 =	vshrl.u32 v5, $0x10  }
0xdd: {  	v5 =	vand.u32 $0x7FFF, v5;
	v8 =	vshrl.u32 v8, $0x10  }
0xde: {  	v8 =	vand.u32 $0x7FFF, v8;
	v3 =	vshrl.u32 v3, $0x10  }
0xdf: {  	v4 =	vshrl.u32 v4, $0x10;
	v3 =	vand.u32 $0x7FFF, v3  }
0xe0: {  	[tilespmem:v2+s2+$0x0] =	vst.idx.add.s32.msk $0xffff, v1;
	v2 =	vand.u32 $0x7FFF, v4;
	v4 =	vshrl.u32 v7, $0x10  }
0xe1: {  	[tilespmem:v6+s2+$0x0] =	vst.idx.add.s32.msk $0xffff, v1;
	v4 =	vand.u32 $0x7FFF, v4  }
0xe2: {  	[tilespmem:v5+s2+$0x0] =	vst.idx.add.s32.msk $0xffff, v1  }
0xe3: {  	[tilespmem:v8+s2+$0x0] =	vst.idx.add.s32.msk $0xffff, v1  }
0xe4: {  	[tilespmem:v3+s2+$0x0] =	vst.idx.add.s32.msk $0xffff, v1  }
0xe5: {  	p0 =	seq.s32 s24, $0x7;
	s25 =	sshll.u32 s24, $0xD;
	[tilespmem:v2+s2+$0x0] =	vst.idx.add.s32.msk $0xffff, v1  }
0xe6: {  	s1 =	simm.s32 @!p0 $0x0;
	s4 =	simm.s32 @!p0 $0x8000;
	s0 =	sadd.s32 @!p0 s25, s7;
	[tilespmem:v4+s2+$0x0] =	vst.idx.add.s32.msk $0xffff, v1  }
0xe7: {  	[tilespmem:s4], [sflag:$0x1] =	stream.linear.gather @!p0 [hbm4b:s0+s1], $0x4000, $0x38;
	[tilespmem:$0x18000] =	vst v63  }
0xe8: {  	s13 =	simm.s32 $0x0;
	_ =	swait.ge [sflag:s18], $0x4000  }
0xe9: {  	s14 =	sand.u32 $0x70, s13;
	s0 =	sand.u32 $0x3C00, s13;
	[sflag:s18] =	ssyncset.done $0x0  }
0xea: {  	s4 =	sor.u32 s14, s0;
	[sflag:s18] =	ssyncadd.s32 $0xFFFFC000  }
0xeb: {  	v2 =	vld [tilespmem:s4+$0xC000];
	_ =	sdelay $0x4  }
0xec: {  	v2 =	vshrl.u32 v2, $0x10  }
0xed: {  	v2 =	vand.u32 $0x7FFF, v2;
	_ =	sdelay $0x4  }
0xee: {  	[tilespmem:v2+s2+$0x0] =	vst.idx.add.s32.msk $0xffff, v1  }
0xef: {  	v2 =	vld [tilespmem:s4+$0xC080]  }
0xf0: {  	s15 =	simm.s32 $0x10;
	s26 =	simm.s32 $0x80  }
0xf1: {  	s1 =	sand.u32 $0x3C00, s26;
	s0 =	sand.u32 $0x70, s15  }
0xf2: {  	s26 =	sor.u32 s0, s1  }
0xf3: {  	v3 =	vld [tilespmem:s26+$0xC000]  }
0xf4: {  	v2 =	vshrl.u32 v2, $0x10  }
0xf5: {  	v2 =	vand.u32 $0x7FFF, v2;
	_ =	sdelay $0x2  }
0xf6: {  	v3 =	vshrl.u32 v3, $0x10  }
0xf7: {  	v3 =	vand.u32 $0x7FFF, v3  }
0xf8: {  	[tilespmem:v2+s2+$0x0] =	vst.idx.add.s32.msk $0xffff, v1  }
0xf9: {  	v2 =	vld [tilespmem:s4+$0xC100];
	_ =	sdelay $0x2  }
0xfa: {  	[tilespmem:v3+s2+$0x0] =	vst.idx.add.s32.msk $0xffff, v1  }
0xfb: {  	v3 =	vld [tilespmem:s26+$0xC080]  }
0xfc: {  	s31 =	simm.s32 $0x100;
	s30 =	simm.s32 $0x20;
	v2 =	vshrl.u32 v2, $0x10  }
0xfd: {  	s0 =	sand.u32 $0x70, s30;
	s1 =	sand.u32 $0x3C00, s31;
	v2 =	vand.u32 $0x7FFF, v2  }
0xfe: {  	s28 =	sor.u32 s0, s1  }
0xff: {  	v4 =	vld [tilespmem:s28+$0xC000]  }
0x100: {  	v3 =	vshrl.u32 v3, $0x10  }
0x101: {  	v3 =	vand.u32 $0x7FFF, v3  }
0x102: {  	[tilespmem:v2+s2+$0x0] =	vst.idx.add.s32.msk $0xffff, v1  }
0x103: {  	v2 =	vld [tilespmem:s4+$0xC180]  }
0x104: {  	v4 =	vshrl.u32 v4, $0x10  }
0x105: {  	v4 =	vand.u32 $0x7FFF, v4  }
0x106: {  	[tilespmem:v3+s2+$0x0] =	vst.idx.add.s32.msk $0xffff, v1  }
0x107: {  	v3 =	vld [tilespmem:s26+$0xC100]  }
0x108: {  	v2 =	vshrl.u32 v2, $0x10  }
0x109: {  	v2 =	vand.u32 $0x7FFF, v2  }
0x10a: {  	s5 =	simm.s32 $0x30;
	s6 =	simm.s32 $0x180;
	[tilespmem:v4+s2+$0x0] =	vst.idx.add.s32.msk $0xffff, v1  }
0x10b: {  	s0 =	sand.u32 $0x70, s5;
	s1 =	sand.u32 $0x3C00, s6;
	v4 =	vld [tilespmem:s28+$0xC080]  }
0x10c: {  	s29 =	sor.u32 s0, s1;
	v3 =	vshrl.u32 v3, $0x10  }
0x10d: {  	v5 =	vld [tilespmem:s29+$0xC000];
	v3 =	vand.u32 $0x7FFF, v3  }
0x10e: {  	[tilespmem:v2+s2+$0x0] =	vst.idx.add.s32.msk $0xffff, v1  }
0x10f: {  	v2 =	vld [tilespmem:s4+$0xC200]  }
0x110: {  	v4 =	vshrl.u32 v4, $0x10  }
0x111: {  	v4 =	vand.u32 $0x7FFF, v4  }
0x112: {  	[tilespmem:v3+s2+$0x0] =	vst.idx.add.s32.msk $0xffff, v1;
	v3 =	vshrl.u32 v5, $0x10  }
0x113: {  	v5 =	vld [tilespmem:s26+$0xC180];
	v3 =	vand.u32 $0x7FFF, v3  }
0x114: {  	v2 =	vshrl.u32 v2, $0x10  }
0x115: {  	v2 =	vand.u32 $0x7FFF, v2  }
0x116: {  	[tilespmem:v4+s2+$0x0] =	vst.idx.add.s32.msk $0xffff, v1  }
0x117: {  	v4 =	vld [tilespmem:s28+$0xC100]  }
0x118: {  	v5 =	vshrl.u32 v5, $0x10;
	[tilespmem:v3+s2+$0x0] =	vst.idx.add.s32.msk $0xffff, v1  }
0x119: {  	v3 =	vand.u32 $0x7FFF, v5;
	v5 =	vld [tilespmem:s29+$0xC080]  }
0x11a: {  	s13 =	simm.s32 $0x40;
	s14 =	simm.s32 $0x200;
	[tilespmem:v2+s2+$0x0] =	vst.idx.add.s32.msk $0xffff, v1  }
0x11b: {  	s0 =	sand.u32 $0x70, s13;
	s1 =	sand.u32 $0x3C00, s14;
	v2 =	vld [tilespmem:s4+$0xC280]  }
0x11c: {  	s0 =	sor.u32 s0, s1;
	v4 =	vshrl.u32 v4, $0x10  }
0x11d: {  	v6 =	vld [tilespmem:s0+$0xC000];
	v4 =	vand.u32 $0x7FFF, v4  }
0x11e: {  	[tilespmem:v3+s2+$0x0] =	vst.idx.add.s32.msk $0xffff, v1;
	v3 =	vshrl.u32 v5, $0x10  }
0x11f: {  	v3 =	vand.u32 $0x7FFF, v3;
	v5 =	vld [tilespmem:s26+$0xC200]  }
0x120: {  	v2 =	vshrl.u32 v2, $0x10  }
0x121: {  	v2 =	vand.u32 $0x7FFF, v2  }
0x122: {  	[tilespmem:v4+s2+$0x0] =	vst.idx.add.s32.msk $0xffff, v1;
	v4 =	vshrl.u32 v6, $0x10  }
0x123: {  	v6 =	vld [tilespmem:s28+$0xC180];
	v4 =	vand.u32 $0x7FFF, v4  }
0x124: {  	[tilespmem:v3+s2+$0x0] =	vst.idx.add.s32.msk $0xffff, v1;
	v3 =	vshrl.u32 v5, $0x10  }
0x125: {  	v5 =	vld [tilespmem:s29+$0xC100];
	v3 =	vand.u32 $0x7FFF, v3  }
0x126: {  	[tilespmem:v2+s2+$0x0] =	vst.idx.add.s32.msk $0xffff, v1  }
0x127: {  	v2 =	vld [tilespmem:s4+$0xC300]  }
0x128: {  	v6 =	vshrl.u32 v6, $0x10;
	[tilespmem:v4+s2+$0x0] =	vst.idx.add.s32.msk $0xffff, v1  }
0x129: {  	v4 =	vand.u32 $0x7FFF, v6;
	v6 =	vld [tilespmem:s0+$0xC080]  }
0x12a: {  	s15 =	simm.s32 $0x50;
	s30 =	simm.s32 $0x280;
	v5 =	vshrl.u32 v5, $0x10;
	[tilespmem:v3+s2+$0x0] =	vst.idx.add.s32.msk $0xffff, v1  }
0x12b: {  	s5 =	sand.u32 $0x3C00, s30;
	s1 =	sand.u32 $0x70, s15;
	v3 =	vand.u32 $0x7FFF, v5;
	v5 =	vld [tilespmem:s26+$0xC280]  }
0x12c: {  	s1 =	sor.u32 s1, s5;
	v2 =	vshrl.u32 v2, $0x10  }
0x12d: {  	v7 =	vld [tilespmem:s1+$0xC000];
	v2 =	vand.u32 $0x7FFF, v2  }
0x12e: {  	[tilespmem:v4+s2+$0x0] =	vst.idx.add.s32.msk $0xffff, v1;
	v4 =	vshrl.u32 v6, $0x10  }
0x12f: {  	v4 =	vand.u32 $0x7FFF, v4;
	v6 =	vld [tilespmem:s28+$0xC200]  }
0x130: {  	[tilespmem:v3+s2+$0x0] =	vst.idx.add.s32.msk $0xffff, v1;
	v3 =	vshrl.u32 v5, $0x10  }
0x131: {  	v5 =	vld [tilespmem:s29+$0xC180];
	v3 =	vand.u32 $0x7FFF, v3  }
0x132: {  	v7 =	vshrl.u32 v7, $0x10;
	[tilespmem:v2+s2+$0x0] =	vst.idx.add.s32.msk $0xffff, v1  }
0x133: {  	v2 =	vand.u32 $0x7FFF, v7;
	v7 =	vld [tilespmem:s4+$0xC380]  }
0x134: {  	[tilespmem:v4+s2+$0x0] =	vst.idx.add.s32.msk $0xffff, v1;
	v4 =	vshrl.u32 v6, $0x10  }
0x135: {  	v6 =	vld [tilespmem:s0+$0xC100];
	v4 =	vand.u32 $0x7FFF, v4  }
0x136: {  	[tilespmem:v3+s2+$0x0] =	vst.idx.add.s32.msk $0xffff, v1;
	v3 =	vshrl.u32 v5, $0x10  }
0x137: {  	v8 =	vld [tilespmem:s26+$0xC300];
	v3 =	vand.u32 $0x7FFF, v3  }
0x138: {  	[tilespmem:v2+s2+$0x0] =	vst.idx.add.s32.msk $0xffff, v1;
	v2 =	vshrl.u32 v7, $0x10  }
0x139: {  	v5 =	vld [tilespmem:s1+$0xC080];
	v2 =	vand.u32 $0x7FFF, v2  }
0x13a: {  	s31 =	simm.s32 $0x60;
	[tilespmem:v4+s2+$0x0] =	vst.idx.add.s32.msk $0xffff, v1;
	v6 =	vshrl.u32 v6, $0x10;
	s4 =	simm.s32 $0x300  }
0x13b: {  	s5 =	sand.u32 $0x70, s31;
	v4 =	vld [tilespmem:s28+$0xC280];
	v6 =	vand.u32 $0x7FFF, v6;
	s6 =	sand.u32 $0x3C00, s4  }
0x13c: {  	v8 =	vshrl.u32 v8, $0x10;
	[tilespmem:v3+s2+$0x0] =	vst.idx.add.s32.msk $0xffff, v1;
	s13 =	sor.u32 s5, s6  }
0x13d: {  	v3 =	vand.u32 $0x7FFF, v8;
	s5 =	simm.s32 $0x70;
	v7 =	vld [tilespmem:s13+$0xC000]  }
.LBB2_7:
0x13e: {  	p1 =	sne.s32 s5, $0x7F0;
	v5 =	vshrl.u32 v5, $0x10;
	[tilespmem:v2+s2+$0x0] =	vst.idx.add.s32.msk $0xffff, v1  }
0x13f: {  	v2 =	vand.u32 $0x7FFF, v5;
	v5 =	vld [tilespmem:s29+$0xC200]  }
0x140: {  	[tilespmem:v6+s2+$0x0] =	vst.idx.add.s32.msk $0xffff, v1;
	v4 =	vshrl.u32 v4, $0x10  }
0x141: {  	v6 =	vld [tilespmem:s0+$0xC180];
	v4 =	vand.u32 $0x7FFF, v4  }
0x142: {  	v7 =	vshrl.u32 v7, $0x10;
	[tilespmem:v3+s2+$0x0] =	vst.idx.add.s32.msk $0xffff, v1  }
0x143: {  	v3 =	vand.u32 $0x7FFF, v7;
	v7 =	vld [tilespmem:s26+$0xC380];
	s26 =	smov.u32 s28;
	s28 =	smov.u32 s29;
	s29 =	smov.u32 s0  }
0x144: {  	s0 =	smov.u32 s1;
	s1 =	smov.u32 s13;
	[tilespmem:v2+s2+$0x0] =	vst.idx.add.s32.msk $0xffff, v1;
	v2 =	vshrl.u32 v5, $0x10  }
0x145: {  	v8 =	vld [tilespmem:s0+$0xC100];
	v9 =	vand.u32 $0x7FFF, v2  }
0x146: {  	[tilespmem:v4+s2+$0x0] =	vst.idx.add.s32.msk $0xffff, v1  }
0x147: {  	v2 =	vshrl.u32 v6, $0x10;
	v10 =	vld [tilespmem:s26+$0xC300]  }
0x148: {  	[tilespmem:v3+s2+$0x0] =	vst.idx.add.s32.msk $0xffff, v1;
	v3 =	vand.u32 $0x7FFF, v2;
	v2 =	vshrl.u32 v7, $0x10  }
.Ltmp4:
0x149: {  	s4 =	sadd.s32 $0x80, s4;
	v5 =	vld [tilespmem:s1+$0xC080];
	v2 =	vand.u32 $0x7FFF, v2;
	(pc) =	sbr.rel @p1 .LBB2_7-.Ltmp4, $4  }
0x14a: {  	s6 =	sand.u32 $0x70, s5;
	s13 =	sand.u32 $0x3C00, s4;
	v4 =	vshrl.u32 v8, $0x10;
	[tilespmem:v9+s2+$0x0] =	vst.idx.add.s32.msk $0xffff, v1  }
0x14b: {  	s13 =	sor.u32 s6, s13;
	v6 =	vand.u32 $0x7FFF, v4;
	v4 =	vld [tilespmem:s28+$0xC280]  }
0x14c: {  	v7 =	vld [tilespmem:s13+$0xC000];
	v8 =	vshrl.u32 v10, $0x10  }
0x14d: {  	s5 =	sadd.s32 $0x10, s5;
	[tilespmem:v3+s2+$0x0] =	vst.idx.add.s32.msk $0xffff, v1;
	v3 =	vand.u32 $0x7FFF, v8  }
0x14e: {  	_ =	sdelay $0x2  }
0x14f: {  	v7 =	vshrl.u32 v7, $0x10  }
0x150: {  	v7 =	vand.u32 $0x7FFF, v7;
	_ =	sdelay $0x4  }
0x151: {  	[tilespmem:v7+s2+$0x0] =	vst.idx.add.s32.msk $0xffff, v1  }
0x152: {  	v7 =	vld [tilespmem:s13+$0xC080];
	_ =	sdelay $0x1  }
0x153: {  	v5 =	vshrl.u32 v5, $0x10  }
0x154: {  	v5 =	vand.u32 $0x7FFF, v5;
	_ =	sdelay $0x1  }
0x155: {  	v7 =	vshrl.u32 v7, $0x10  }
0x156: {  	v7 =	vand.u32 $0x7FFF, v7;
	_ =	sdelay $0x1  }
0x157: {  	[tilespmem:v5+s2+$0x0] =	vst.idx.add.s32.msk $0xffff, v1  }
0x158: {  	v5 =	vld [tilespmem:s1+$0xC100];
	_ =	sdelay $0x1  }
0x159: {  	[tilespmem:v7+s2+$0x0] =	vst.idx.add.s32.msk $0xffff, v1  }
0x15a: {  	v7 =	vld [tilespmem:s13+$0xC100];
	_ =	sdelay $0x1  }
0x15b: {  	[tilespmem:v6+s2+$0x0] =	vst.idx.add.s32.msk $0xffff, v1;
	v5 =	vshrl.u32 v5, $0x10  }
0x15c: {  	v6 =	vld [tilespmem:s0+$0xC180];
	v5 =	vand.u32 $0x7FFF, v5;
	_ =	sdelay $0x1  }
0x15d: {  	v7 =	vshrl.u32 v7, $0x10  }
0x15e: {  	v7 =	vand.u32 $0x7FFF, v7;
	_ =	sdelay $0x1  }
0x15f: {  	v6 =	vshrl.u32 v6, $0x10;
	[tilespmem:v5+s2+$0x0] =	vst.idx.add.s32.msk $0xffff, v1  }
0x160: {  	v6 =	vand.u32 $0x7FFF, v6;
	v5 =	vld [tilespmem:s1+$0xC180];
	_ =	sdelay $0x1  }
0x161: {  	[tilespmem:v7+s2+$0x0] =	vst.idx.add.s32.msk $0xffff, v1  }
0x162: {  	v7 =	vld [tilespmem:s13+$0xC180];
	_ =	sdelay $0x1  }
0x163: {  	[tilespmem:v6+s2+$0x0] =	vst.idx.add.s32.msk $0xffff, v1;
	v5 =	vshrl.u32 v5, $0x10  }
0x164: {  	v6 =	vld [tilespmem:s0+$0xC200];
	v5 =	vand.u32 $0x7FFF, v5;
	_ =	sdelay $0x1  }
0x165: {  	v7 =	vshrl.u32 v7, $0x10  }
0x166: {  	v8 =	vld [tilespmem:s29+$0xC200];
	v7 =	vand.u32 $0x7FFF, v7;
	_ =	sdelay $0x1  }
0x167: {  	v6 =	vshrl.u32 v6, $0x10;
	[tilespmem:v5+s2+$0x0] =	vst.idx.add.s32.msk $0xffff, v1  }
0x168: {  	v6 =	vand.u32 $0x7FFF, v6;
	v5 =	vld [tilespmem:s1+$0xC200];
	_ =	sdelay $0x1  }
0x169: {  	v8 =	vshrl.u32 v8, $0x10;
	[tilespmem:v7+s2+$0x0] =	vst.idx.add.s32.msk $0xffff, v1  }
0x16a: {  	v7 =	vand.u32 $0x7FFF, v8;
	v8 =	vld [tilespmem:s13+$0xC200];
	_ =	sdelay $0x1  }
0x16b: {  	[tilespmem:v6+s2+$0x0] =	vst.idx.add.s32.msk $0xffff, v1;
	v5 =	vshrl.u32 v5, $0x10  }
0x16c: {  	v6 =	vld [tilespmem:s0+$0xC280];
	v5 =	vand.u32 $0x7FFF, v5;
	_ =	sdelay $0x1  }
0x16d: {  	[tilespmem:v7+s2+$0x0] =	vst.idx.add.s32.msk $0xffff, v1;
	v7 =	vshrl.u32 v8, $0x10  }
0x16e: {  	v8 =	vld [tilespmem:s29+$0xC280];
	v7 =	vand.u32 $0x7FFF, v7  }
0x16f: {  	v4 =	vshrl.u32 v4, $0x10  }
0x170: {  	v4 =	vand.u32 $0x7FFF, v4;
	v6 =	vshrl.u32 v6, $0x10;
	[tilespmem:v5+s2+$0x0] =	vst.idx.add.s32.msk $0xffff, v1  }
0x171: {  	v6 =	vand.u32 $0x7FFF, v6;
	v5 =	vld [tilespmem:s1+$0xC280];
	_ =	sdelay $0x1  }
0x172: {  	v8 =	vshrl.u32 v8, $0x10;
	[tilespmem:v7+s2+$0x0] =	vst.idx.add.s32.msk $0xffff, v1  }
0x173: {  	v7 =	vand.u32 $0x7FFF, v8;
	v8 =	vld [tilespmem:s13+$0xC280]  }
0x174: {  	[tilespmem:v4+s2+$0x0] =	vst.idx.add.s32.msk $0xffff, v1  }
0x175: {  	[tilespmem:v6+s2+$0x0] =	vst.idx.add.s32.msk $0xffff, v1;
	v4 =	vshrl.u32 v5, $0x10  }
0x176: {  	v5 =	vld [tilespmem:s28+$0xC300];
	v4 =	vand.u32 $0x7FFF, v4  }
0x177: {  	v6 =	vld [tilespmem:s0+$0xC300]  }
0x178: {  	[tilespmem:v7+s2+$0x0] =	vst.idx.add.s32.msk $0xffff, v1;
	v7 =	vshrl.u32 v8, $0x10  }
0x179: {  	v8 =	vld [tilespmem:s29+$0xC300];
	v7 =	vand.u32 $0x7FFF, v7;
	_ =	sdelay $0x1  }
0x17a: {  	v5 =	vshrl.u32 v5, $0x10;
	[tilespmem:v4+s2+$0x0] =	vst.idx.add.s32.msk $0xffff, v1  }
0x17b: {  	v4 =	vand.u32 $0x7FFF, v5;
	v5 =	vld [tilespmem:s1+$0xC300]  }
0x17c: {  	[tilespmem:v3+s2+$0x0] =	vst.idx.add.s32.msk $0xffff, v1;
	v3 =	vshrl.u32 v6, $0x10  }
0x17d: {  	v3 =	vand.u32 $0x7FFF, v3;
	v8 =	vshrl.u32 v8, $0x10;
	[tilespmem:v7+s2+$0x0] =	vst.idx.add.s32.msk $0xffff, v1  }
0x17e: {  	v7 =	vand.u32 $0x7FFF, v8;
	v8 =	vld [tilespmem:s13+$0xC300];
	_ =	sdelay $0x1  }
0x17f: {  	[tilespmem:v4+s2+$0x0] =	vst.idx.add.s32.msk $0xffff, v1;
	v4 =	vshrl.u32 v5, $0x10  }
0x180: {  	v6 =	vld [tilespmem:s26+$0xC380];
	v4 =	vand.u32 $0x7FFF, v4  }
0x181: {  	[tilespmem:v3+s2+$0x0] =	vst.idx.add.s32.msk $0xffff, v1  }
0x182: {  	[tilespmem:v7+s2+$0x0] =	vst.idx.add.s32.msk $0xffff, v1;
	v7 =	vshrl.u32 v8, $0x10  }
0x183: {  	v3 =	vld [tilespmem:s0+$0xC380];
	v7 =	vand.u32 $0x7FFF, v7  }
0x184: {  	v5 =	vld [tilespmem:s28+$0xC380]  }
0x185: {  	[tilespmem:v4+s2+$0x0] =	vst.idx.add.s32.msk $0xffff, v1  }
0x186: {  	v4 =	vld [tilespmem:s1+$0xC380]  }
0x187: {  	v8 =	vld [tilespmem:s29+$0xC380]  }
0x188: {  	[tilespmem:v7+s2+$0x0] =	vst.idx.add.s32.msk $0xffff, v1  }
0x189: {  	v6 =	vshrl.u32 v6, $0x10;
	v7 =	vld [tilespmem:s13+$0xC380]  }
0x18a: {  	v6 =	vand.u32 $0x7FFF, v6;
	v3 =	vshrl.u32 v3, $0x10  }
0x18b: {  	v3 =	vand.u32 $0x7FFF, v3;
	v5 =	vshrl.u32 v5, $0x10  }
0x18c: {  	v5 =	vand.u32 $0x7FFF, v5;
	v4 =	vshrl.u32 v4, $0x10  }
0x18d: {  	[tilespmem:v2+s2+$0x0] =	vst.idx.add.s32.msk $0xffff, v1;
	v2 =	vand.u32 $0x7FFF, v4;
	v8 =	vshrl.u32 v8, $0x10  }
0x18e: {  	v8 =	vand.u32 $0x7FFF, v8;
	v4 =	vshrl.u32 v7, $0x10  }
0x18f: {  	[tilespmem:v6+s2+$0x0] =	vst.idx.add.s32.msk $0xffff, v1;
	v4 =	vand.u32 $0x7FFF, v4  }
0x190: {  	[tilespmem:v3+s2+$0x0] =	vst.idx.add.s32.msk $0xffff, v1  }
0x191: {  	[tilespmem:v5+s2+$0x0] =	vst.idx.add.s32.msk $0xffff, v1  }
0x192: {  	[tilespmem:v2+s2+$0x0] =	vst.idx.add.s32.msk $0xffff, v1  }
0x193: {  	[tilespmem:v8+s2+$0x0] =	vst.idx.add.s32.msk $0xffff, v1  }
0x194: {  	s4 =	simm.s32 @!p0 $0xC000;
	s0 =	sadd.s32 @!p0 s25, s8;
	s1 =	simm.s32 @!p0 $0x0;
	[tilespmem:v4+s2+$0x0] =	vst.idx.add.s32.msk $0xffff, v1  }
0x195: {  	[tilespmem:s4], [sflag:$0x2] =	stream.linear.gather @!p0 [hbm4b:s0+s1], $0x4000, $0x38;
	[tilespmem:$0x18000] =	vst v63  }
0x196: {  	s15 =	simm.s32 $0x0;
	_ =	swait.ge [sflag:s19], $0x4000  }
0x197: {  	s26 =	sand.u32 $0x70, s15;
	s0 =	sand.u32 $0x3C00, s15;
	[sflag:s19] =	ssyncset.done $0x0  }
0x198: {  	s4 =	sor.u32 s26, s0;
	[sflag:s19] =	ssyncadd.s32 $0xFFFFC000  }
0x199: {  	v2 =	vld [tilespmem:s4+$0x10000];
	_ =	sdelay $0x4  }
0x19a: {  	v2 =	vshrl.u32 v2, $0x10  }
0x19b: {  	v2 =	vand.u32 $0x7FFF, v2;
	_ =	sdelay $0x4  }
0x19c: {  	[tilespmem:v2+s2+$0x0] =	vst.idx.add.s32.msk $0xffff, v1  }
0x19d: {  	v2 =	vld [tilespmem:s4+$0x10080]  }
0x19e: {  	s30 =	simm.s32 $0x10;
	s31 =	simm.s32 $0x80  }
0x19f: {  	s1 =	sand.u32 $0x3C00, s31;
	s0 =	sand.u32 $0x70, s30  }
0x1a0: {  	s26 =	sor.u32 s0, s1  }
0x1a1: {  	v3 =	vld [tilespmem:s26+$0x10000]  }
0x1a2: {  	v2 =	vshrl.u32 v2, $0x10  }
0x1a3: {  	v2 =	vand.u32 $0x7FFF, v2;
	_ =	sdelay $0x2  }
0x1a4: {  	v3 =	vshrl.u32 v3, $0x10  }
0x1a5: {  	v3 =	vand.u32 $0x7FFF, v3  }
0x1a6: {  	[tilespmem:v2+s2+$0x0] =	vst.idx.add.s32.msk $0xffff, v1  }
0x1a7: {  	v2 =	vld [tilespmem:s4+$0x10100];
	_ =	sdelay $0x2  }
0x1a8: {  	[tilespmem:v3+s2+$0x0] =	vst.idx.add.s32.msk $0xffff, v1  }
0x1a9: {  	v3 =	vld [tilespmem:s26+$0x10080]  }
0x1aa: {  	s5 =	simm.s32 $0x100;
	s1 =	simm.s32 $0x20;
	v2 =	vshrl.u32 v2, $0x10  }
0x1ab: {  	s0 =	sand.u32 $0x70, s1;
	s1 =	sand.u32 $0x3C00, s5;
	v2 =	vand.u32 $0x7FFF, v2  }
0x1ac: {  	s28 =	sor.u32 s0, s1  }
0x1ad: {  	v4 =	vld [tilespmem:s28+$0x10000]  }
0x1ae: {  	v3 =	vshrl.u32 v3, $0x10  }
0x1af: {  	v3 =	vand.u32 $0x7FFF, v3  }
0x1b0: {  	[tilespmem:v2+s2+$0x0] =	vst.idx.add.s32.msk $0xffff, v1  }
0x1b1: {  	v2 =	vld [tilespmem:s4+$0x10180]  }
0x1b2: {  	v4 =	vshrl.u32 v4, $0x10  }
0x1b3: {  	v4 =	vand.u32 $0x7FFF, v4  }
0x1b4: {  	[tilespmem:v3+s2+$0x0] =	vst.idx.add.s32.msk $0xffff, v1  }
0x1b5: {  	v3 =	vld [tilespmem:s26+$0x10100]  }
0x1b6: {  	v2 =	vshrl.u32 v2, $0x10  }
0x1b7: {  	v2 =	vand.u32 $0x7FFF, v2  }
0x1b8: {  	s6 =	simm.s32 $0x30;
	s13 =	simm.s32 $0x180;
	[tilespmem:v4+s2+$0x0] =	vst.idx.add.s32.msk $0xffff, v1  }
0x1b9: {  	s0 =	sand.u32 $0x70, s6;
	s1 =	sand.u32 $0x3C00, s13;
	v4 =	vld [tilespmem:s28+$0x10080]  }
0x1ba: {  	s29 =	sor.u32 s0, s1;
	v3 =	vshrl.u32 v3, $0x10  }
0x1bb: {  	v5 =	vld [tilespmem:s29+$0x10000];
	v3 =	vand.u32 $0x7FFF, v3  }
0x1bc: {  	[tilespmem:v2+s2+$0x0] =	vst.idx.add.s32.msk $0xffff, v1  }
0x1bd: {  	v2 =	vld [tilespmem:s4+$0x10200]  }
0x1be: {  	v4 =	vshrl.u32 v4, $0x10  }
0x1bf: {  	v4 =	vand.u32 $0x7FFF, v4  }
0x1c0: {  	[tilespmem:v3+s2+$0x0] =	vst.idx.add.s32.msk $0xffff, v1;
	v3 =	vshrl.u32 v5, $0x10  }
0x1c1: {  	v5 =	vld [tilespmem:s26+$0x10180];
	v3 =	vand.u32 $0x7FFF, v3  }
0x1c2: {  	v2 =	vshrl.u32 v2, $0x10  }
0x1c3: {  	v2 =	vand.u32 $0x7FFF, v2  }
0x1c4: {  	[tilespmem:v4+s2+$0x0] =	vst.idx.add.s32.msk $0xffff, v1  }
0x1c5: {  	v4 =	vld [tilespmem:s28+$0x10100]  }
0x1c6: {  	v5 =	vshrl.u32 v5, $0x10;
	[tilespmem:v3+s2+$0x0] =	vst.idx.add.s32.msk $0xffff, v1  }
0x1c7: {  	v3 =	vand.u32 $0x7FFF, v5;
	v5 =	vld [tilespmem:s29+$0x10080]  }
0x1c8: {  	s14 =	simm.s32 $0x40;
	s15 =	simm.s32 $0x200;
	[tilespmem:v2+s2+$0x0] =	vst.idx.add.s32.msk $0xffff, v1  }
0x1c9: {  	s0 =	sand.u32 $0x70, s14;
	s1 =	sand.u32 $0x3C00, s15;
	v2 =	vld [tilespmem:s4+$0x10280]  }
0x1ca: {  	s0 =	sor.u32 s0, s1;
	v4 =	vshrl.u32 v4, $0x10  }
0x1cb: {  	v6 =	vld [tilespmem:s0+$0x10000];
	v4 =	vand.u32 $0x7FFF, v4  }
0x1cc: {  	[tilespmem:v3+s2+$0x0] =	vst.idx.add.s32.msk $0xffff, v1;
	v3 =	vshrl.u32 v5, $0x10  }
0x1cd: {  	v3 =	vand.u32 $0x7FFF, v3;
	v5 =	vld [tilespmem:s26+$0x10200]  }
0x1ce: {  	v2 =	vshrl.u32 v2, $0x10  }
0x1cf: {  	v2 =	vand.u32 $0x7FFF, v2  }
0x1d0: {  	[tilespmem:v4+s2+$0x0] =	vst.idx.add.s32.msk $0xffff, v1;
	v4 =	vshrl.u32 v6, $0x10  }
0x1d1: {  	v6 =	vld [tilespmem:s28+$0x10180];
	v4 =	vand.u32 $0x7FFF, v4  }
0x1d2: {  	[tilespmem:v3+s2+$0x0] =	vst.idx.add.s32.msk $0xffff, v1;
	v3 =	vshrl.u32 v5, $0x10  }
0x1d3: {  	v5 =	vld [tilespmem:s29+$0x10100];
	v3 =	vand.u32 $0x7FFF, v3  }
0x1d4: {  	[tilespmem:v2+s2+$0x0] =	vst.idx.add.s32.msk $0xffff, v1  }
0x1d5: {  	v2 =	vld [tilespmem:s4+$0x10300]  }
0x1d6: {  	v6 =	vshrl.u32 v6, $0x10;
	[tilespmem:v4+s2+$0x0] =	vst.idx.add.s32.msk $0xffff, v1  }
0x1d7: {  	v4 =	vand.u32 $0x7FFF, v6;
	v6 =	vld [tilespmem:s0+$0x10080]  }
0x1d8: {  	s30 =	simm.s32 $0x50;
	s5 =	simm.s32 $0x280;
	v5 =	vshrl.u32 v5, $0x10;
	[tilespmem:v3+s2+$0x0] =	vst.idx.add.s32.msk $0xffff, v1  }
0x1d9: {  	s5 =	sand.u32 $0x3C00, s5;
	s1 =	sand.u32 $0x70, s30;
	v3 =	vand.u32 $0x7FFF, v5;
	v5 =	vld [tilespmem:s26+$0x10280]  }
0x1da: {  	s1 =	sor.u32 s1, s5;
	v2 =	vshrl.u32 v2, $0x10  }
0x1db: {  	v7 =	vld [tilespmem:s1+$0x10000];
	v2 =	vand.u32 $0x7FFF, v2  }
0x1dc: {  	[tilespmem:v4+s2+$0x0] =	vst.idx.add.s32.msk $0xffff, v1;
	v4 =	vshrl.u32 v6, $0x10  }
0x1dd: {  	v4 =	vand.u32 $0x7FFF, v4;
	v6 =	vld [tilespmem:s28+$0x10200]  }
0x1de: {  	[tilespmem:v3+s2+$0x0] =	vst.idx.add.s32.msk $0xffff, v1;
	v3 =	vshrl.u32 v5, $0x10  }
0x1df: {  	v5 =	vld [tilespmem:s29+$0x10180];
	v3 =	vand.u32 $0x7FFF, v3  }
0x1e0: {  	v7 =	vshrl.u32 v7, $0x10;
	[tilespmem:v2+s2+$0x0] =	vst.idx.add.s32.msk $0xffff, v1  }
0x1e1: {  	v2 =	vand.u32 $0x7FFF, v7;
	v7 =	vld [tilespmem:s4+$0x10380]  }
0x1e2: {  	[tilespmem:v4+s2+$0x0] =	vst.idx.add.s32.msk $0xffff, v1;
	v4 =	vshrl.u32 v6, $0x10  }
0x1e3: {  	v6 =	vld [tilespmem:s0+$0x10100];
	v4 =	vand.u32 $0x7FFF, v4  }
0x1e4: {  	[tilespmem:v3+s2+$0x0] =	vst.idx.add.s32.msk $0xffff, v1;
	v3 =	vshrl.u32 v5, $0x10  }
0x1e5: {  	v8 =	vld [tilespmem:s26+$0x10300];
	v3 =	vand.u32 $0x7FFF, v3  }
0x1e6: {  	[tilespmem:v2+s2+$0x0] =	vst.idx.add.s32.msk $0xffff, v1;
	v2 =	vshrl.u32 v7, $0x10  }
0x1e7: {  	v5 =	vld [tilespmem:s1+$0x10080];
	v2 =	vand.u32 $0x7FFF, v2  }
0x1e8: {  	s31 =	simm.s32 $0x60;
	[tilespmem:v4+s2+$0x0] =	vst.idx.add.s32.msk $0xffff, v1;
	v6 =	vshrl.u32 v6, $0x10;
	s4 =	simm.s32 $0x300  }
0x1e9: {  	s5 =	sand.u32 $0x70, s31;
	v4 =	vld [tilespmem:s28+$0x10280];
	v6 =	vand.u32 $0x7FFF, v6;
	s6 =	sand.u32 $0x3C00, s4  }
0x1ea: {  	v8 =	vshrl.u32 v8, $0x10;
	[tilespmem:v3+s2+$0x0] =	vst.idx.add.s32.msk $0xffff, v1;
	s13 =	sor.u32 s5, s6  }
0x1eb: {  	v3 =	vand.u32 $0x7FFF, v8;
	s5 =	simm.s32 $0x70;
	v7 =	vld [tilespmem:s13+$0x10000]  }
.LBB2_9:
0x1ec: {  	p1 =	sne.s32 s5, $0x7F0;
	v5 =	vshrl.u32 v5, $0x10;
	[tilespmem:v2+s2+$0x0] =	vst.idx.add.s32.msk $0xffff, v1  }
0x1ed: {  	v2 =	vand.u32 $0x7FFF, v5;
	v5 =	vld [tilespmem:s29+$0x10200]  }
0x1ee: {  	[tilespmem:v6+s2+$0x0] =	vst.idx.add.s32.msk $0xffff, v1;
	v4 =	vshrl.u32 v4, $0x10  }
0x1ef: {  	v6 =	vld [tilespmem:s0+$0x10180];
	v4 =	vand.u32 $0x7FFF, v4  }
0x1f0: {  	v7 =	vshrl.u32 v7, $0x10;
	[tilespmem:v3+s2+$0x0] =	vst.idx.add.s32.msk $0xffff, v1  }
0x1f1: {  	v3 =	vand.u32 $0x7FFF, v7;
	v7 =	vld [tilespmem:s26+$0x10380];
	s26 =	smov.u32 s28;
	s28 =	smov.u32 s29;
	s29 =	smov.u32 s0  }
0x1f2: {  	s0 =	smov.u32 s1;
	s1 =	smov.u32 s13;
	[tilespmem:v2+s2+$0x0] =	vst.idx.add.s32.msk $0xffff, v1;
	v2 =	vshrl.u32 v5, $0x10  }
0x1f3: {  	v8 =	vld [tilespmem:s0+$0x10100];
	v9 =	vand.u32 $0x7FFF, v2  }
0x1f4: {  	[tilespmem:v4+s2+$0x0] =	vst.idx.add.s32.msk $0xffff, v1  }
0x1f5: {  	v2 =	vshrl.u32 v6, $0x10;
	v10 =	vld [tilespmem:s26+$0x10300]  }
0x1f6: {  	[tilespmem:v3+s2+$0x0] =	vst.idx.add.s32.msk $0xffff, v1;
	v3 =	vand.u32 $0x7FFF, v2;
	v2 =	vshrl.u32 v7, $0x10  }
.Ltmp5:
0x1f7: {  	s4 =	sadd.s32 $0x80, s4;
	v5 =	vld [tilespmem:s1+$0x10080];
	v2 =	vand.u32 $0x7FFF, v2;
	(pc) =	sbr.rel @p1 .LBB2_9-.Ltmp5, $4  }
0x1f8: {  	s6 =	sand.u32 $0x70, s5;
	s13 =	sand.u32 $0x3C00, s4;
	v4 =	vshrl.u32 v8, $0x10;
	[tilespmem:v9+s2+$0x0] =	vst.idx.add.s32.msk $0xffff, v1  }
0x1f9: {  	s13 =	sor.u32 s6, s13;
	v6 =	vand.u32 $0x7FFF, v4;
	v4 =	vld [tilespmem:s28+$0x10280]  }
0x1fa: {  	v7 =	vld [tilespmem:s13+$0x10000];
	v8 =	vshrl.u32 v10, $0x10  }
0x1fb: {  	s5 =	sadd.s32 $0x10, s5;
	[tilespmem:v3+s2+$0x0] =	vst.idx.add.s32.msk $0xffff, v1;
	v3 =	vand.u32 $0x7FFF, v8  }
0x1fc: {  	_ =	sdelay $0x2  }
0x1fd: {  	v7 =	vshrl.u32 v7, $0x10  }
0x1fe: {  	v7 =	vand.u32 $0x7FFF, v7;
	_ =	sdelay $0x4  }
0x1ff: {  	[tilespmem:v7+s2+$0x0] =	vst.idx.add.s32.msk $0xffff, v1  }
0x200: {  	v7 =	vld [tilespmem:s13+$0x10080];
	_ =	sdelay $0x1  }
0x201: {  	v5 =	vshrl.u32 v5, $0x10  }
0x202: {  	v5 =	vand.u32 $0x7FFF, v5;
	_ =	sdelay $0x1  }
0x203: {  	v7 =	vshrl.u32 v7, $0x10  }
0x204: {  	v7 =	vand.u32 $0x7FFF, v7;
	_ =	sdelay $0x1  }
0x205: {  	[tilespmem:v5+s2+$0x0] =	vst.idx.add.s32.msk $0xffff, v1  }
0x206: {  	v5 =	vld [tilespmem:s1+$0x10100];
	_ =	sdelay $0x1  }
0x207: {  	[tilespmem:v7+s2+$0x0] =	vst.idx.add.s32.msk $0xffff, v1  }
0x208: {  	v7 =	vld [tilespmem:s13+$0x10100];
	_ =	sdelay $0x1  }
0x209: {  	[tilespmem:v6+s2+$0x0] =	vst.idx.add.s32.msk $0xffff, v1;
	v5 =	vshrl.u32 v5, $0x10  }
0x20a: {  	v6 =	vld [tilespmem:s0+$0x10180];
	v5 =	vand.u32 $0x7FFF, v5;
	_ =	sdelay $0x1  }
0x20b: {  	v7 =	vshrl.u32 v7, $0x10  }
0x20c: {  	v7 =	vand.u32 $0x7FFF, v7;
	_ =	sdelay $0x1  }
0x20d: {  	v6 =	vshrl.u32 v6, $0x10;
	[tilespmem:v5+s2+$0x0] =	vst.idx.add.s32.msk $0xffff, v1  }
0x20e: {  	v6 =	vand.u32 $0x7FFF, v6;
	v5 =	vld [tilespmem:s1+$0x10180];
	_ =	sdelay $0x1  }
0x20f: {  	[tilespmem:v7+s2+$0x0] =	vst.idx.add.s32.msk $0xffff, v1  }
0x210: {  	v7 =	vld [tilespmem:s13+$0x10180];
	_ =	sdelay $0x1  }
0x211: {  	[tilespmem:v6+s2+$0x0] =	vst.idx.add.s32.msk $0xffff, v1;
	v5 =	vshrl.u32 v5, $0x10  }
0x212: {  	v6 =	vld [tilespmem:s0+$0x10200];
	v5 =	vand.u32 $0x7FFF, v5;
	_ =	sdelay $0x1  }
0x213: {  	v7 =	vshrl.u32 v7, $0x10  }
0x214: {  	v8 =	vld [tilespmem:s29+$0x10200];
	v7 =	vand.u32 $0x7FFF, v7;
	_ =	sdelay $0x1  }
0x215: {  	v6 =	vshrl.u32 v6, $0x10;
	[tilespmem:v5+s2+$0x0] =	vst.idx.add.s32.msk $0xffff, v1  }
0x216: {  	v6 =	vand.u32 $0x7FFF, v6;
	v5 =	vld [tilespmem:s1+$0x10200];
	_ =	sdelay $0x1  }
0x217: {  	v8 =	vshrl.u32 v8, $0x10;
	[tilespmem:v7+s2+$0x0] =	vst.idx.add.s32.msk $0xffff, v1  }
0x218: {  	v7 =	vand.u32 $0x7FFF, v8;
	v8 =	vld [tilespmem:s13+$0x10200];
	_ =	sdelay $0x1  }
0x219: {  	[tilespmem:v6+s2+$0x0] =	vst.idx.add.s32.msk $0xffff, v1;
	v5 =	vshrl.u32 v5, $0x10  }
0x21a: {  	v6 =	vld [tilespmem:s0+$0x10280];
	v5 =	vand.u32 $0x7FFF, v5;
	_ =	sdelay $0x1  }
0x21b: {  	[tilespmem:v7+s2+$0x0] =	vst.idx.add.s32.msk $0xffff, v1;
	v7 =	vshrl.u32 v8, $0x10  }
0x21c: {  	v8 =	vld [tilespmem:s29+$0x10280];
	v7 =	vand.u32 $0x7FFF, v7  }
0x21d: {  	v4 =	vshrl.u32 v4, $0x10  }
0x21e: {  	v4 =	vand.u32 $0x7FFF, v4;
	v6 =	vshrl.u32 v6, $0x10;
	[tilespmem:v5+s2+$0x0] =	vst.idx.add.s32.msk $0xffff, v1  }
0x21f: {  	v6 =	vand.u32 $0x7FFF, v6;
	v5 =	vld [tilespmem:s1+$0x10280];
	_ =	sdelay $0x1  }
0x220: {  	v8 =	vshrl.u32 v8, $0x10;
	[tilespmem:v7+s2+$0x0] =	vst.idx.add.s32.msk $0xffff, v1  }
0x221: {  	v7 =	vand.u32 $0x7FFF, v8;
	v8 =	vld [tilespmem:s13+$0x10280]  }
0x222: {  	[tilespmem:v4+s2+$0x0] =	vst.idx.add.s32.msk $0xffff, v1  }
0x223: {  	[tilespmem:v6+s2+$0x0] =	vst.idx.add.s32.msk $0xffff, v1;
	v4 =	vshrl.u32 v5, $0x10  }
0x224: {  	v5 =	vld [tilespmem:s28+$0x10300];
	v4 =	vand.u32 $0x7FFF, v4  }
0x225: {  	v6 =	vld [tilespmem:s0+$0x10300]  }
0x226: {  	[tilespmem:v7+s2+$0x0] =	vst.idx.add.s32.msk $0xffff, v1;
	v7 =	vshrl.u32 v8, $0x10  }
0x227: {  	v8 =	vld [tilespmem:s29+$0x10300];
	v7 =	vand.u32 $0x7FFF, v7;
	_ =	sdelay $0x1  }
0x228: {  	v5 =	vshrl.u32 v5, $0x10;
	[tilespmem:v4+s2+$0x0] =	vst.idx.add.s32.msk $0xffff, v1  }
0x229: {  	v4 =	vand.u32 $0x7FFF, v5;
	v5 =	vld [tilespmem:s1+$0x10300]  }
0x22a: {  	[tilespmem:v3+s2+$0x0] =	vst.idx.add.s32.msk $0xffff, v1;
	v3 =	vshrl.u32 v6, $0x10  }
0x22b: {  	v3 =	vand.u32 $0x7FFF, v3;
	v8 =	vshrl.u32 v8, $0x10;
	[tilespmem:v7+s2+$0x0] =	vst.idx.add.s32.msk $0xffff, v1  }
0x22c: {  	v7 =	vand.u32 $0x7FFF, v8;
	v8 =	vld [tilespmem:s13+$0x10300];
	_ =	sdelay $0x1  }
0x22d: {  	[tilespmem:v4+s2+$0x0] =	vst.idx.add.s32.msk $0xffff, v1;
	v4 =	vshrl.u32 v5, $0x10  }
0x22e: {  	v6 =	vld [tilespmem:s26+$0x10380];
	v4 =	vand.u32 $0x7FFF, v4  }
0x22f: {  	[tilespmem:v3+s2+$0x0] =	vst.idx.add.s32.msk $0xffff, v1  }
0x230: {  	[tilespmem:v7+s2+$0x0] =	vst.idx.add.s32.msk $0xffff, v1;
	v7 =	vshrl.u32 v8, $0x10  }
0x231: {  	v3 =	vld [tilespmem:s0+$0x10380];
	v7 =	vand.u32 $0x7FFF, v7  }
0x232: {  	v5 =	vld [tilespmem:s28+$0x10380]  }
0x233: {  	[tilespmem:v4+s2+$0x0] =	vst.idx.add.s32.msk $0xffff, v1  }
0x234: {  	v4 =	vld [tilespmem:s1+$0x10380]  }
0x235: {  	v8 =	vld [tilespmem:s29+$0x10380]  }
0x236: {  	[tilespmem:v7+s2+$0x0] =	vst.idx.add.s32.msk $0xffff, v1  }
0x237: {  	v6 =	vshrl.u32 v6, $0x10;
	v7 =	vld [tilespmem:s13+$0x10380]  }
0x238: {  	v6 =	vand.u32 $0x7FFF, v6;
	v3 =	vshrl.u32 v3, $0x10  }
0x239: {  	v3 =	vand.u32 $0x7FFF, v3;
	v5 =	vshrl.u32 v5, $0x10  }
0x23a: {  	v5 =	vand.u32 $0x7FFF, v5;
	v4 =	vshrl.u32 v4, $0x10  }
0x23b: {  	[tilespmem:v2+s2+$0x0] =	vst.idx.add.s32.msk $0xffff, v1;
	v2 =	vand.u32 $0x7FFF, v4;
	v8 =	vshrl.u32 v8, $0x10  }
0x23c: {  	v8 =	vand.u32 $0x7FFF, v8;
	v4 =	vshrl.u32 v7, $0x10  }
0x23d: {  	[tilespmem:v6+s2+$0x0] =	vst.idx.add.s32.msk $0xffff, v1;
	v4 =	vand.u32 $0x7FFF, v4  }
0x23e: {  	[tilespmem:v3+s2+$0x0] =	vst.idx.add.s32.msk $0xffff, v1  }
0x23f: {  	[tilespmem:v5+s2+$0x0] =	vst.idx.add.s32.msk $0xffff, v1  }
0x240: {  	[tilespmem:v2+s2+$0x0] =	vst.idx.add.s32.msk $0xffff, v1  }
0x241: {  	[tilespmem:v8+s2+$0x0] =	vst.idx.add.s32.msk $0xffff, v1  }
0x242: {  	s4 =	simm.s32 @!p0 $0x10000;
	s0 =	sadd.s32 @!p0 s25, s9;
	s1 =	simm.s32 @!p0 $0x0;
	[tilespmem:v4+s2+$0x0] =	vst.idx.add.s32.msk $0xffff, v1  }
0x243: {  	[tilespmem:s4], [sflag:$0x3] =	stream.linear.gather @!p0 [hbm4b:s0+s1], $0x4000, $0x38;
	[tilespmem:$0x18000] =	vst v63  }
0x244: {  	s15 =	simm.s32 $0x0;
	_ =	swait.ge [sflag:s20], $0x4000  }
0x245: {  	s26 =	sand.u32 $0x70, s15;
	s0 =	sand.u32 $0x3C00, s15;
	[sflag:s20] =	ssyncset.done $0x0  }
0x246: {  	s4 =	sor.u32 s26, s0;
	[sflag:s20] =	ssyncadd.s32 $0xFFFFC000  }
0x247: {  	v2 =	vld [tilespmem:s4+$0x14000];
	_ =	sdelay $0x4  }
0x248: {  	v2 =	vshrl.u32 v2, $0x10  }
0x249: {  	v2 =	vand.u32 $0x7FFF, v2;
	_ =	sdelay $0x4  }
0x24a: {  	[tilespmem:v2+s2+$0x0] =	vst.idx.add.s32.msk $0xffff, v1  }
0x24b: {  	v2 =	vld [tilespmem:s4+$0x14080]  }
0x24c: {  	s30 =	simm.s32 $0x10;
	s31 =	simm.s32 $0x80  }
0x24d: {  	s1 =	sand.u32 $0x3C00, s31;
	s0 =	sand.u32 $0x70, s30  }
0x24e: {  	s26 =	sor.u32 s0, s1  }
0x24f: {  	v3 =	vld [tilespmem:s26+$0x14000]  }
0x250: {  	v2 =	vshrl.u32 v2, $0x10  }
0x251: {  	v2 =	vand.u32 $0x7FFF, v2;
	_ =	sdelay $0x2  }
0x252: {  	v3 =	vshrl.u32 v3, $0x10  }
0x253: {  	v3 =	vand.u32 $0x7FFF, v3  }
0x254: {  	[tilespmem:v2+s2+$0x0] =	vst.idx.add.s32.msk $0xffff, v1  }
0x255: {  	v2 =	vld [tilespmem:s4+$0x14100];
	_ =	sdelay $0x2  }
0x256: {  	[tilespmem:v3+s2+$0x0] =	vst.idx.add.s32.msk $0xffff, v1  }
0x257: {  	v3 =	vld [tilespmem:s26+$0x14080]  }
0x258: {  	s5 =	simm.s32 $0x100;
	s1 =	simm.s32 $0x20;
	v2 =	vshrl.u32 v2, $0x10  }
0x259: {  	s0 =	sand.u32 $0x70, s1;
	s1 =	sand.u32 $0x3C00, s5;
	v2 =	vand.u32 $0x7FFF, v2  }
0x25a: {  	s28 =	sor.u32 s0, s1  }
0x25b: {  	v4 =	vld [tilespmem:s28+$0x14000]  }
0x25c: {  	v3 =	vshrl.u32 v3, $0x10  }
0x25d: {  	v3 =	vand.u32 $0x7FFF, v3  }
0x25e: {  	[tilespmem:v2+s2+$0x0] =	vst.idx.add.s32.msk $0xffff, v1  }
0x25f: {  	v2 =	vld [tilespmem:s4+$0x14180]  }
0x260: {  	v4 =	vshrl.u32 v4, $0x10  }
0x261: {  	v4 =	vand.u32 $0x7FFF, v4  }
0x262: {  	[tilespmem:v3+s2+$0x0] =	vst.idx.add.s32.msk $0xffff, v1  }
0x263: {  	v3 =	vld [tilespmem:s26+$0x14100]  }
0x264: {  	v2 =	vshrl.u32 v2, $0x10  }
0x265: {  	v2 =	vand.u32 $0x7FFF, v2  }
0x266: {  	s6 =	simm.s32 $0x30;
	s13 =	simm.s32 $0x180;
	[tilespmem:v4+s2+$0x0] =	vst.idx.add.s32.msk $0xffff, v1  }
0x267: {  	s0 =	sand.u32 $0x70, s6;
	s1 =	sand.u32 $0x3C00, s13;
	v4 =	vld [tilespmem:s28+$0x14080]  }
0x268: {  	s29 =	sor.u32 s0, s1;
	v3 =	vshrl.u32 v3, $0x10  }
0x269: {  	v5 =	vld [tilespmem:s29+$0x14000];
	v3 =	vand.u32 $0x7FFF, v3  }
0x26a: {  	[tilespmem:v2+s2+$0x0] =	vst.idx.add.s32.msk $0xffff, v1  }
0x26b: {  	v2 =	vld [tilespmem:s4+$0x14200]  }
0x26c: {  	v4 =	vshrl.u32 v4, $0x10  }
0x26d: {  	v4 =	vand.u32 $0x7FFF, v4  }
0x26e: {  	[tilespmem:v3+s2+$0x0] =	vst.idx.add.s32.msk $0xffff, v1;
	v3 =	vshrl.u32 v5, $0x10  }
0x26f: {  	v5 =	vld [tilespmem:s26+$0x14180];
	v3 =	vand.u32 $0x7FFF, v3  }
0x270: {  	v2 =	vshrl.u32 v2, $0x10  }
0x271: {  	v2 =	vand.u32 $0x7FFF, v2  }
0x272: {  	[tilespmem:v4+s2+$0x0] =	vst.idx.add.s32.msk $0xffff, v1  }
0x273: {  	v4 =	vld [tilespmem:s28+$0x14100]  }
0x274: {  	v5 =	vshrl.u32 v5, $0x10;
	[tilespmem:v3+s2+$0x0] =	vst.idx.add.s32.msk $0xffff, v1  }
0x275: {  	v3 =	vand.u32 $0x7FFF, v5;
	v5 =	vld [tilespmem:s29+$0x14080]  }
0x276: {  	s14 =	simm.s32 $0x40;
	s15 =	simm.s32 $0x200;
	[tilespmem:v2+s2+$0x0] =	vst.idx.add.s32.msk $0xffff, v1  }
0x277: {  	s0 =	sand.u32 $0x70, s14;
	s1 =	sand.u32 $0x3C00, s15;
	v2 =	vld [tilespmem:s4+$0x14280]  }
0x278: {  	s0 =	sor.u32 s0, s1;
	v4 =	vshrl.u32 v4, $0x10  }
0x279: {  	v6 =	vld [tilespmem:s0+$0x14000];
	v4 =	vand.u32 $0x7FFF, v4  }
0x27a: {  	[tilespmem:v3+s2+$0x0] =	vst.idx.add.s32.msk $0xffff, v1;
	v3 =	vshrl.u32 v5, $0x10  }
0x27b: {  	v3 =	vand.u32 $0x7FFF, v3;
	v5 =	vld [tilespmem:s26+$0x14200]  }
0x27c: {  	v2 =	vshrl.u32 v2, $0x10  }
0x27d: {  	v2 =	vand.u32 $0x7FFF, v2  }
0x27e: {  	[tilespmem:v4+s2+$0x0] =	vst.idx.add.s32.msk $0xffff, v1;
	v4 =	vshrl.u32 v6, $0x10  }
0x27f: {  	v6 =	vld [tilespmem:s28+$0x14180];
	v4 =	vand.u32 $0x7FFF, v4  }
0x280: {  	[tilespmem:v3+s2+$0x0] =	vst.idx.add.s32.msk $0xffff, v1;
	v3 =	vshrl.u32 v5, $0x10  }
0x281: {  	v5 =	vld [tilespmem:s29+$0x14100];
	v3 =	vand.u32 $0x7FFF, v3  }
0x282: {  	[tilespmem:v2+s2+$0x0] =	vst.idx.add.s32.msk $0xffff, v1  }
0x283: {  	v2 =	vld [tilespmem:s4+$0x14300]  }
0x284: {  	v6 =	vshrl.u32 v6, $0x10;
	[tilespmem:v4+s2+$0x0] =	vst.idx.add.s32.msk $0xffff, v1  }
0x285: {  	v4 =	vand.u32 $0x7FFF, v6;
	v6 =	vld [tilespmem:s0+$0x14080]  }
0x286: {  	s30 =	simm.s32 $0x50;
	s5 =	simm.s32 $0x280;
	v5 =	vshrl.u32 v5, $0x10;
	[tilespmem:v3+s2+$0x0] =	vst.idx.add.s32.msk $0xffff, v1  }
0x287: {  	s5 =	sand.u32 $0x3C00, s5;
	s1 =	sand.u32 $0x70, s30;
	v3 =	vand.u32 $0x7FFF, v5;
	v5 =	vld [tilespmem:s26+$0x14280]  }
0x288: {  	s1 =	sor.u32 s1, s5;
	v2 =	vshrl.u32 v2, $0x10  }
0x289: {  	v7 =	vld [tilespmem:s1+$0x14000];
	v2 =	vand.u32 $0x7FFF, v2  }
0x28a: {  	[tilespmem:v4+s2+$0x0] =	vst.idx.add.s32.msk $0xffff, v1;
	v4 =	vshrl.u32 v6, $0x10  }
0x28b: {  	v4 =	vand.u32 $0x7FFF, v4;
	v6 =	vld [tilespmem:s28+$0x14200]  }
0x28c: {  	[tilespmem:v3+s2+$0x0] =	vst.idx.add.s32.msk $0xffff, v1;
	v3 =	vshrl.u32 v5, $0x10  }
0x28d: {  	v5 =	vld [tilespmem:s29+$0x14180];
	v3 =	vand.u32 $0x7FFF, v3  }
0x28e: {  	v7 =	vshrl.u32 v7, $0x10;
	[tilespmem:v2+s2+$0x0] =	vst.idx.add.s32.msk $0xffff, v1  }
0x28f: {  	v2 =	vand.u32 $0x7FFF, v7;
	v7 =	vld [tilespmem:s4+$0x14380]  }
0x290: {  	[tilespmem:v4+s2+$0x0] =	vst.idx.add.s32.msk $0xffff, v1;
	v4 =	vshrl.u32 v6, $0x10  }
0x291: {  	v6 =	vld [tilespmem:s0+$0x14100];
	v4 =	vand.u32 $0x7FFF, v4  }
0x292: {  	[tilespmem:v3+s2+$0x0] =	vst.idx.add.s32.msk $0xffff, v1;
	v3 =	vshrl.u32 v5, $0x10  }
0x293: {  	v8 =	vld [tilespmem:s26+$0x14300];
	v3 =	vand.u32 $0x7FFF, v3  }
0x294: {  	[tilespmem:v2+s2+$0x0] =	vst.idx.add.s32.msk $0xffff, v1;
	v2 =	vshrl.u32 v7, $0x10  }
0x295: {  	v5 =	vld [tilespmem:s1+$0x14080];
	v2 =	vand.u32 $0x7FFF, v2  }
0x296: {  	s31 =	simm.s32 $0x60;
	[tilespmem:v4+s2+$0x0] =	vst.idx.add.s32.msk $0xffff, v1;
	v6 =	vshrl.u32 v6, $0x10;
	s4 =	simm.s32 $0x300  }
0x297: {  	s5 =	sand.u32 $0x70, s31;
	v4 =	vld [tilespmem:s28+$0x14280];
	v6 =	vand.u32 $0x7FFF, v6;
	s6 =	sand.u32 $0x3C00, s4  }
0x298: {  	v8 =	vshrl.u32 v8, $0x10;
	[tilespmem:v3+s2+$0x0] =	vst.idx.add.s32.msk $0xffff, v1;
	s13 =	sor.u32 s5, s6  }
0x299: {  	v3 =	vand.u32 $0x7FFF, v8;
	s5 =	simm.s32 $0x70;
	v7 =	vld [tilespmem:s13+$0x14000]  }
.LBB2_11:
0x29a: {  	p1 =	sne.s32 s5, $0x7F0;
	v5 =	vshrl.u32 v5, $0x10;
	[tilespmem:v2+s2+$0x0] =	vst.idx.add.s32.msk $0xffff, v1  }
0x29b: {  	v2 =	vand.u32 $0x7FFF, v5;
	v5 =	vld [tilespmem:s29+$0x14200]  }
0x29c: {  	[tilespmem:v6+s2+$0x0] =	vst.idx.add.s32.msk $0xffff, v1;
	v4 =	vshrl.u32 v4, $0x10  }
0x29d: {  	v6 =	vld [tilespmem:s0+$0x14180];
	v4 =	vand.u32 $0x7FFF, v4  }
0x29e: {  	v7 =	vshrl.u32 v7, $0x10;
	[tilespmem:v3+s2+$0x0] =	vst.idx.add.s32.msk $0xffff, v1  }
0x29f: {  	v3 =	vand.u32 $0x7FFF, v7;
	v7 =	vld [tilespmem:s26+$0x14380];
	s26 =	smov.u32 s28;
	s28 =	smov.u32 s29;
	s29 =	smov.u32 s0  }
0x2a0: {  	s0 =	smov.u32 s1;
	s1 =	smov.u32 s13;
	[tilespmem:v2+s2+$0x0] =	vst.idx.add.s32.msk $0xffff, v1;
	v2 =	vshrl.u32 v5, $0x10  }
0x2a1: {  	v8 =	vld [tilespmem:s0+$0x14100];
	v9 =	vand.u32 $0x7FFF, v2  }
0x2a2: {  	[tilespmem:v4+s2+$0x0] =	vst.idx.add.s32.msk $0xffff, v1  }
0x2a3: {  	v2 =	vshrl.u32 v6, $0x10;
	v10 =	vld [tilespmem:s26+$0x14300]  }
0x2a4: {  	[tilespmem:v3+s2+$0x0] =	vst.idx.add.s32.msk $0xffff, v1;
	v3 =	vand.u32 $0x7FFF, v2;
	v2 =	vshrl.u32 v7, $0x10  }
.Ltmp6:
0x2a5: {  	s4 =	sadd.s32 $0x80, s4;
	v5 =	vld [tilespmem:s1+$0x14080];
	v2 =	vand.u32 $0x7FFF, v2;
	(pc) =	sbr.rel @p1 .LBB2_11-.Ltmp6, $4  }
0x2a6: {  	s6 =	sand.u32 $0x70, s5;
	s13 =	sand.u32 $0x3C00, s4;
	v4 =	vshrl.u32 v8, $0x10;
	[tilespmem:v9+s2+$0x0] =	vst.idx.add.s32.msk $0xffff, v1  }
0x2a7: {  	s13 =	sor.u32 s6, s13;
	v6 =	vand.u32 $0x7FFF, v4;
	v4 =	vld [tilespmem:s28+$0x14280]  }
0x2a8: {  	v7 =	vld [tilespmem:s13+$0x14000];
	v8 =	vshrl.u32 v10, $0x10  }
0x2a9: {  	s5 =	sadd.s32 $0x10, s5;
	[tilespmem:v3+s2+$0x0] =	vst.idx.add.s32.msk $0xffff, v1;
	v3 =	vand.u32 $0x7FFF, v8  }
0x2aa: {  	_ =	sdelay $0x2  }
0x2ab: {  	v7 =	vshrl.u32 v7, $0x10  }
0x2ac: {  	v7 =	vand.u32 $0x7FFF, v7;
	_ =	sdelay $0x4  }
0x2ad: {  	[tilespmem:v7+s2+$0x0] =	vst.idx.add.s32.msk $0xffff, v1  }
0x2ae: {  	v7 =	vld [tilespmem:s13+$0x14080];
	_ =	sdelay $0x2  }
0x2af: {  	v5 =	vshrl.u32 v5, $0x10  }
0x2b0: {  	v5 =	vand.u32 $0x7FFF, v5  }
0x2b1: {  	v7 =	vshrl.u32 v7, $0x10  }
0x2b2: {  	v7 =	vand.u32 $0x7FFF, v7;
	_ =	sdelay $0x2  }
0x2b3: {  	[tilespmem:v5+s2+$0x0] =	vst.idx.add.s32.msk $0xffff, v1  }
0x2b4: {  	v5 =	vld [tilespmem:s1+$0x14100]  }
0x2b5: {  	[tilespmem:v7+s2+$0x0] =	vst.idx.add.s32.msk $0xffff, v1  }
0x2b6: {  	v7 =	vld [tilespmem:s13+$0x14100];
	_ =	sdelay $0x2  }
0x2b7: {  	v5 =	vshrl.u32 v5, $0x10  }
0x2b8: {  	v5 =	vand.u32 $0x7FFF, v5  }
0x2b9: {  	[tilespmem:v6+s2+$0x0] =	vst.idx.add.s32.msk $0xffff, v1;
	v7 =	vshrl.u32 v7, $0x10  }
0x2ba: {  	v6 =	vld [tilespmem:s0+$0x14180];
	v7 =	vand.u32 $0x7FFF, v7;
	_ =	sdelay $0x2  }
0x2bb: {  	[tilespmem:v5+s2+$0x0] =	vst.idx.add.s32.msk $0xffff, v1  }
0x2bc: {  	v5 =	vld [tilespmem:s1+$0x14180]  }
0x2bd: {  	v6 =	vshrl.u32 v6, $0x10;
	[tilespmem:v7+s2+$0x0] =	vst.idx.add.s32.msk $0xffff, v1  }
0x2be: {  	v6 =	vand.u32 $0x7FFF, v6;
	v7 =	vld [tilespmem:s13+$0x14180];
	_ =	sdelay $0x2  }
0x2bf: {  	v5 =	vshrl.u32 v5, $0x10  }
0x2c0: {  	v8 =	vld [tilespmem:s29+$0x14200];
	v5 =	vand.u32 $0x7FFF, v5  }
0x2c1: {  	[tilespmem:v6+s2+$0x0] =	vst.idx.add.s32.msk $0xffff, v1;
	v7 =	vshrl.u32 v7, $0x10  }
0x2c2: {  	v6 =	vld [tilespmem:s0+$0x14200];
	v7 =	vand.u32 $0x7FFF, v7;
	_ =	sdelay $0x2  }
0x2c3: {  	v8 =	vshrl.u32 v8, $0x10;
	[tilespmem:v5+s2+$0x0] =	vst.idx.add.s32.msk $0xffff, v1  }
0x2c4: {  	v44 =	vand.u32 $0x7FFF, v8;
	v5 =	vld [tilespmem:s1+$0x14200]  }
0x2c5: {  	v6 =	vshrl.u32 v6, $0x10;
	[tilespmem:v7+s2+$0x0] =	vst.idx.add.s32.msk $0xffff, v1  }
0x2c6: {  	v6 =	vand.u32 $0x7FFF, v6;
	v45 =	vld [tilespmem:s13+$0x14200];
	_ =	sdelay $0x2  }
0x2c7: {  	[tilespmem:v44+s2+$0x0] =	vst.idx.add.s32.msk $0xffff, v1;
	v5 =	vshrl.u32 v5, $0x10  }
0x2c8: {  	v47 =	vld [tilespmem:s29+$0x14280];
	v5 =	vand.u32 $0x7FFF, v5  }
0x2c9: {  	[tilespmem:v6+s2+$0x0] =	vst.idx.add.s32.msk $0xffff, v1;
	v46 =	vshrl.u32 v45, $0x10  }
0x2ca: {  	v6 =	vld [tilespmem:s0+$0x14280];
	v7 =	vand.u32 $0x7FFF, v46;
	_ =	sdelay $0x1  }
0x2cb: {  	v4 =	vshrl.u32 v4, $0x10  }
0x2cc: {  	v4 =	vand.u32 $0x7FFF, v4;
	v8 =	vshrl.u32 v47, $0x10;
	[tilespmem:v5+s2+$0x0] =	vst.idx.add.s32.msk $0xffff, v1  }
0x2cd: {  	v48 =	vand.u32 $0x7FFF, v8;
	v5 =	vld [tilespmem:s1+$0x14280]  }
0x2ce: {  	v6 =	vshrl.u32 v6, $0x10;
	[tilespmem:v7+s2+$0x0] =	vst.idx.add.s32.msk $0xffff, v1  }
0x2cf: {  	v6 =	vand.u32 $0x7FFF, v6;
	v49 =	vld [tilespmem:s13+$0x14280];
	_ =	sdelay $0x1  }
0x2d0: {  	[tilespmem:v4+s2+$0x0] =	vst.idx.add.s32.msk $0xffff, v1  }
0x2d1: {  	[tilespmem:v48+s2+$0x0] =	vst.idx.add.s32.msk $0xffff, v1;
	v50 =	vshrl.u32 v5, $0x10  }
0x2d2: {  	v53 =	vld [tilespmem:s29+$0x14300];
	v4 =	vand.u32 $0x7FFF, v50  }
0x2d3: {  	[tilespmem:v6+s2+$0x0] =	vst.idx.add.s32.msk $0xffff, v1;
	v52 =	vshrl.u32 v49, $0x10  }
0x2d4: {  	v6 =	vld [tilespmem:s0+$0x14300];
	v7 =	vand.u32 $0x7FFF, v52  }
0x2d5: {  	[tilespmem:v3+s2+$0x0] =	vst.idx.add.s32.msk $0xffff, v1  }
0x2d6: {  	v51 =	vld [tilespmem:s28+$0x14300]  }
0x2d7: {  	v8 =	vshrl.u32 v53, $0x10;
	[tilespmem:v4+s2+$0x0] =	vst.idx.add.s32.msk $0xffff, v1  }
0x2d8: {  	v56 =	vand.u32 $0x7FFF, v8;
	v55 =	vld [tilespmem:s1+$0x14300]  }
0x2d9: {  	v3 =	vshrl.u32 v6, $0x10;
	[tilespmem:v7+s2+$0x0] =	vst.idx.add.s32.msk $0xffff, v1  }
0x2da: {  	v3 =	vand.u32 $0x7FFF, v3;
	v57 =	vld [tilespmem:s13+$0x14300]  }
0x2db: {  	v5 =	vshrl.u32 v51, $0x10  }
0x2dc: {  	v58 =	vld [tilespmem:s26+$0x14380];
	v54 =	vand.u32 $0x7FFF, v5  }
0x2dd: {  	[tilespmem:v56+s2+$0x0] =	vst.idx.add.s32.msk $0xffff, v1;
	v59 =	vshrl.u32 v55, $0x10  }
0x2de: {  	v62 =	vld [tilespmem:s29+$0x14380];
	v4 =	vand.u32 $0x7FFF, v59  }
0x2df: {  	[tilespmem:v3+s2+$0x0] =	vst.idx.add.s32.msk $0xffff, v1;
	v61 =	vshrl.u32 v57, $0x10  }
0x2e0: {  	v3 =	vld [tilespmem:s0+$0x14380];
	v7 =	vand.u32 $0x7FFF, v61  }
0x2e1: {  	[tilespmem:v54+s2+$0x0] =	vst.idx.add.s32.msk $0xffff, v1  }
0x2e2: {  	v60 =	vld [tilespmem:s28+$0x14380]  }
0x2e3: {  	[tilespmem:v4+s2+$0x0] =	vst.idx.add.s32.msk $0xffff, v1  }
0x2e4: {  	v4 =	vld [tilespmem:s1+$0x14380]  }
0x2e5: {  	[tilespmem:v7+s2+$0x0] =	vst.idx.add.s32.msk $0xffff, v1  }
0x2e6: {  	v8 =	vshrl.u32 v62, $0x10;
	v7 =	vld [tilespmem:s13+$0x14380]  }
0x2e7: {  	v6 =	vshrl.u32 v58, $0x10;
	v8 =	vand.u32 $0x7FFF, v8  }
0x2e8: {  	v6 =	vand.u32 $0x7FFF, v6;
	v3 =	vshrl.u32 v3, $0x10  }
0x2e9: {  	v3 =	vand.u32 $0x7FFF, v3;
	v5 =	vshrl.u32 v60, $0x10  }
0x2ea: {  	v5 =	vand.u32 $0x7FFF, v5;
	v4 =	vshrl.u32 v4, $0x10  }
0x2eb: {  	[tilespmem:v2+s2+$0x0] =	vst.idx.add.s32.msk $0xffff, v1;
	v2 =	vand.u32 $0x7FFF, v4;
	v63 =	vshrl.u32 v7, $0x10  }
0x2ec: {  	[tilespmem:v8+s2+$0x0] =	vst.idx.add.s32.msk $0xffff, v1;
	v4 =	vand.u32 $0x7FFF, v63  }
.Ltmp7:
0x2ed: {  	[tilespmem:v6+s2+$0x0] =	vst.idx.add.s32.msk $0xffff, v1;
	(pc) =	sbr.rel @p0 .LBB2_14-.Ltmp7, $4  }
0x2ee: {  	[tilespmem:v3+s2+$0x0] =	vst.idx.add.s32.msk $0xffff, v1  }
0x2ef: {  	[tilespmem:v5+s2+$0x0] =	vst.idx.add.s32.msk $0xffff, v1  }
0x2f0: {  	[tilespmem:v2+s2+$0x0] =	vst.idx.add.s32.msk $0xffff, v1  }
0x2f1: {  	[tilespmem:v4+s2+$0x0] =	vst.idx.add.s32.msk $0xffff, v1  }
.Ltmp8:
0x2f2: {  	(pc) =	sbr.rel .LBB2_4-.Ltmp8, $3  }
0x2f3: {  	_ =	sdelay $0x1  }
0x2f4: {  	s0 =	sadd.s32 s25, s10;
	s24 =	sadd.s32 $0x1, s24  }
0x2f5: {  	[tilespmem:s16], [sflag:$0x4] =	stream.linear.gather [hbm4b:s0+s2], $0x4000, $0x38;
	[tilespmem:$0x18000] =	vst v63  }
.LBB2_15:
0x2f6: {  	_ =	sfence.sel $0x180000  }
0x2f7: {  	[bflag:$0x0] =	sbarrier.arrive $0xFFFF  }
0x2f8: {  	_ =	strace $0x90000047  }
0x2f9: {  	s0 =	stileid.u32;
	[bflag:$0x2] =	sbarrier.arrive $0xFFFF  }
0x2fa: {  	p0 =	sne.s32 s0, $0x0;
	s0 =	rddreg [dreg:$0x2]  }
0x2fb: {  	s0 =	sadd.s32 @!p0 $0x100000, s0  }
0x2fc: {  	[sflag:s0] =	ssyncadd.tile.s32 @!p0 $0x1;
	_ =	shalt  }
.Lfunc_end2:
_tile_overlayer_lowered:
.L_overlay_start_2:
0x2fd: {  	(tag) =	ssettag $0x2  }
0x2fe: {  	s0 =	rddreg [dreg:$0x0];
	s2 =	stileid.u32  }
0x2ff: {  	s1 =	rddreg [dreg:$0x1];
	p0 =	sne.s32 s2, $0x0  }
0x300: {  	s3 =	rddreg [dreg:$0x2];
	[bflag:$0x3] =	sbarrier.arrive $0xFFFF;
	s2 =	simm.s32 @!p0 $0x1C05  }
0x301: {  	[timem:s3], [sflag:s2] =	dma.local @!p0 [hbm:s0], s1  }
0x302: {  	s0 =	simm.s32 @!p0 $0x5  }
0x303: {  	_ =	swait.ge @!p0 [sflag:s0], s1  }
0x304: {  	s1 =	ssub.s32 @!p0 $0x0, s1;
	[sflag:s0] =	ssyncset.done @!p0 $0x0  }
0x305: {  	[sflag:s0] =	ssyncadd.s32 @!p0 s1  }
0x306: {  	[bflag:$0x3] =	sbarrier.arrive $0xFFFF  }
0x307: {  	_ =	shalt  }

</sc_bundles>
